<compile_context>
chip_gen: v7x
topology: tpu7x:2x2x1
jax: 0.10.2.dev20260603
libtpu: 0.0.44.dev20260713+nightly
codegen_flags: <defaults>
</compile_context>

<pallas_src>
import functools

import jax
import jax.numpy as jnp
from jax import lax
from jax.experimental import pallas as pl
from jax.experimental.pallas import tpu as pltpu
from jax.experimental.pallas import tpu_sc as plsc

N_TOK = 65536
K_CODES = 512
DIM = 32
BLK = 16384
CHUNK = 128


def _dist_argmin_body(z_ref, emb_ref, idx_ref, loss_ref):
    i = pl.program_id(0)
    z = z_ref[...]
    emb_t = emb_ref[...]
    cross_m2 = lax.dot_general(-2.0 * emb_t, z, (((0,), (0,)), ((), ())),
                               preferred_element_type=jnp.float32)
    e_sq = jnp.sum(emb_t * emb_t, axis=0)[:, None]
    dT = e_sq + cross_m2
    idx_ref[...] = jnp.argmin(dT, axis=0).astype(jnp.int32)
    blk_loss = jnp.sum(jnp.min(dT, axis=0)) + jnp.sum(z * z)

    @pl.when(i == 0)
    def _init():
        loss_ref[...] = jnp.zeros((1, 1), jnp.float32)

    loss_ref[...] = loss_ref[...] + blk_loss


def _dist_argmin(z_t, emb_t):
    grid = N_TOK // BLK
    return pl.pallas_call(
        _dist_argmin_body,
        grid=(grid,),
        in_specs=[
            pl.BlockSpec((DIM, BLK), lambda i: (0, i)),
            pl.BlockSpec((DIM, K_CODES), lambda i: (0, 0)),
        ],
        out_specs=[
            pl.BlockSpec((BLK,), lambda i: (i,)),
            pl.BlockSpec((1, 1), lambda i: (0, 0)),
        ],
        out_shape=[
            jax.ShapeDtypeStruct((N_TOK,), jnp.int32),
            jax.ShapeDtypeStruct((1, 1), jnp.float32),
        ],
    )(z_t, emb_t)


@functools.cache
def _make_sc_gather():
    info = plsc.get_sparse_core_info()
    nc, ns = info.num_cores, info.num_subcores
    nw = nc * ns
    tok_per_w = N_TOK // nw
    lanes = info.num_lanes
    n_batches = tok_per_w // lanes
    mesh = plsc.VectorSubcoreMesh(core_axis_name="c", subcore_axis_name="s")

    @functools.partial(
        pl.kernel,
        mesh=mesh,
        out_type=jax.ShapeDtypeStruct((DIM, N_TOK), jnp.float32),
        scratch_types=[
            pltpu.VMEM((tok_per_w,), jnp.int32),
            pltpu.VMEM((DIM, K_CODES), jnp.float32),
            pltpu.VMEM((DIM, tok_per_w), jnp.float32),
        ],
        compiler_params=pltpu.CompilerParams(use_tc_tiling_on_sc=True,
                                             needs_layout_passes=False),
    )
    def gather(table_hbm, idx_hbm, out_hbm, idx_v, table_v, zq_v):
        wid = lax.axis_index("s") * nc + lax.axis_index("c")
        base = wid * tok_per_w
        pltpu.sync_copy(table_hbm, table_v)
        pltpu.sync_copy(idx_hbm.at[pl.ds(base, tok_per_w)], idx_v)
        lane_iota = lax.iota(jnp.int32, lanes)

        @plsc.parallel_loop(0, n_batches, step=1, unroll=8)
        def _batches(b):
            idx16 = idx_v[pl.ds(b * lanes, lanes)]
            tok16 = b * lanes + lane_iota
            for d in range(DIM):
                d16 = jnp.full((lanes,), d, jnp.int32)
                vals = plsc.load_gather(table_v, [d16, idx16])
                plsc.store_scatter(zq_v, [d16, tok16], vals)
        pltpu.sync_copy(zq_v, out_hbm.at[:, pl.ds(base, tok_per_w)])

    return gather


def kernel(z_e, embeddings):
    indices, loss_sum = _dist_argmin(z_e.T, embeddings.T)
    z_q_t = _make_sc_gather()(embeddings.T, indices)
    z_q_st = z_q_t.T
    vq_loss = (1.25 / (N_TOK * DIM)) * loss_sum.reshape(())
    return (z_q_st, vq_loss, indices)

# --- scband reference (transcript-rebuilt; emitter-appended) ---
"""Pipeline reference for scband-vector-quantizer-60550448939194 (READ-ONLY COPY).

The authoritative reference and input builder live on the scoring server;
editing this copy changes nothing except your own understanding.
"""

import jax, jax.numpy as jnp
import numpy as np

NUM_EMBEDDINGS = 512
EMBEDDING_DIM = 32
COMMITMENT_COST = 0.25
N_TOKENS = 65536


def setup_inputs(seed: int = 0) -> dict:
    key = jax.random.key(seed)
    k1, k2 = jax.random.split(key)
    z_e = jax.random.normal(k1, (N_TOKENS, EMBEDDING_DIM), dtype=jnp.float32)
    embeddings = jax.random.normal(k2, (NUM_EMBEDDINGS, EMBEDDING_DIM), dtype=jnp.float32)
    return {"z_e": z_e, "embeddings": embeddings}


def reference(z_e, embeddings):
    # squared euclidean distances ||z - e||^2 = ||z||^2 + ||e||^2 - 2 z.e
    # (algebraically identical to sum((z[:,None]-e[None])**2, -1), avoids
    #  materializing the [N, K, D] broadcast tensor)
    z_sq = jnp.sum(z_e ** 2, axis=1, keepdims=True)          # [N, 1]
    e_sq = jnp.sum(embeddings ** 2, axis=1)[None, :]         # [1, K]
    cross = z_e @ embeddings.T                                # [N, K]
    distances = z_sq + e_sq - 2.0 * cross                     # [N, K]
    encoding_indices = jnp.argmin(distances, axis=1)          # [N]
    z_q = jnp.take(embeddings, encoding_indices, axis=0)      # [N, D] gather
    commitment_loss = jnp.mean((jax.lax.stop_gradient(z_e) - z_q) ** 2)
    embedding_loss = jnp.mean((z_e - jax.lax.stop_gradient(z_q)) ** 2)
    vq_loss = embedding_loss + COMMITMENT_COST * commitment_loss
    z_q_st = z_e + jax.lax.stop_gradient(z_q - z_e)           # straight-through
    return (z_q_st, vq_loss, encoding_indices)

if __name__ == "__main__":
    import jax
    _d = setup_inputs()
    print(jax.jit(kernel)(*tuple(_d.values())))

</pallas_src>

<mosaic_0001>
#map = affine_map<(d0, d1) -> (0, 0)>
#map1 = affine_map<(d0, d1) -> (0)>
module attributes {stable_mosaic.version = 14 : i64} {
  func.func @gather(%arg0: i32, %arg1: i32, %arg2: memref<32x512xf32, #tpu.memory_space<hbm>>, %arg3: memref<65536xi32, #tpu.memory_space<hbm>>, %arg4: memref<32x65536xf32, #tpu.memory_space<hbm>>, %arg5: memref<2048xi32, #tpu.memory_space<vmem>>, %arg6: memref<32x512xf32, #tpu.memory_space<vmem>>, %arg7: memref<32x2048xf32, #tpu.memory_space<vmem>>) attributes {dimension_semantics = [#tpu.dimension_semantics<core_parallel>, #tpu.dimension_semantics<subcore_parallel>], iteration_bounds = array<i64: 2, 16>, scalar_prefetch = 0 : i64, scratch_operands = 3 : i64, tpu.core_type = #tpu.core_type<sc_vector_subcore>, window_params = [{transform_indices = #map}, {transform_indices = #map1}, {transform_indices = #map}]} {
    %mul3A = arith.constant 2 : i32
    %mul3A_0 = arith.muli %arg1, %mul3A : i32
    %add3A = arith.addi %mul3A_0, %arg0 : i32
    %mul3A_1 = arith.constant 2048 : i32
    %mul3A_2 = arith.muli %add3A, %mul3A_1 : i32
    "tpu.region"() ({
      %run_scoped3A = tpu.sem_alloc : memref<!tpu.dma_semaphore, #tpu.memory_space<semaphore_mem>>
      tpu.enqueue_dma source(%arg2 : memref<32x512xf32, #tpu.memory_space<hbm>>) target(%arg6 : memref<32x512xf32, #tpu.memory_space<vmem>>) target_semaphore(%run_scoped3A : memref<!tpu.dma_semaphore, #tpu.memory_space<semaphore_mem>>)
      tpu.wait_dma2 semaphore(%run_scoped3A : memref<!tpu.dma_semaphore, #tpu.memory_space<semaphore_mem>>) src(%arg2 : memref<32x512xf32, #tpu.memory_space<hbm>>) dst(%arg6 : memref<32x512xf32, #tpu.memory_space<vmem>>)
      tpu.yield
    }) : () -> ()
    "tpu.region"() ({
      %run_scoped3A = tpu.sem_alloc : memref<!tpu.dma_semaphore, #tpu.memory_space<semaphore_mem>>
      %dma_start3A = tpu.memref_slice %arg3[%mul3A_2] : memref<65536xi32, #tpu.memory_space<hbm>> -> memref<2048xi32, #tpu.memory_space<hbm>>
      %dma_start3A_5 = tpu.memref_slice %arg3[%mul3A_2] : memref<65536xi32, #tpu.memory_space<hbm>> -> memref<2048xi32, #tpu.memory_space<hbm>>
      tpu.enqueue_dma source(%dma_start3A_5 : memref<2048xi32, #tpu.memory_space<hbm>>) target(%arg5 : memref<2048xi32, #tpu.memory_space<vmem>>) target_semaphore(%run_scoped3A : memref<!tpu.dma_semaphore, #tpu.memory_space<semaphore_mem>>)
      %dma_wait3A = tpu.memref_slice %arg3[%mul3A_2] : memref<65536xi32, #tpu.memory_space<hbm>> -> memref<2048xi32, #tpu.memory_space<hbm>>
      %dma_wait3A_6 = tpu.memref_slice %arg3[%mul3A_2] : memref<65536xi32, #tpu.memory_space<hbm>> -> memref<2048xi32, #tpu.memory_space<hbm>>
      tpu.wait_dma2 semaphore(%run_scoped3A : memref<!tpu.dma_semaphore, #tpu.memory_space<semaphore_mem>>) src(%dma_wait3A_6 : memref<2048xi32, #tpu.memory_space<hbm>>) dst(%arg5 : memref<2048xi32, #tpu.memory_space<vmem>>)
      tpu.yield
    }) : () -> ()
    %iota3A = tpu.iota {dimensions = array<i32: 0>} : vector<16xi32>
    %parallel_loop3A = arith.constant 0 : i32
    %parallel_loop3A_3 = arith.constant 128 : i32
    %parallel_loop3A_4 = arith.constant 1 : i32
    scf.for %parallel_loop3A_5 = %parallel_loop3A to %parallel_loop3A_3 step %parallel_loop3A_4  : i32 {
      %parallel_loop3A_6 = arith.constant 16 : i32
      %parallel_loop3A_7 = arith.muli %parallel_loop3A_5, %parallel_loop3A_6 : i32
      %parallel_loop3A_8 = arith.index_cast %parallel_loop3A_7 : i32 to index
      %parallel_loop3A_9 = tpu.vector_load %arg5[%parallel_loop3A_8] {strides = array<i32>} : memref<2048xi32, #tpu.memory_space<vmem>>, vector<16xi32>,
      %parallel_loop3A_10 = arith.constant 16 : i32
      %parallel_loop3A_11 = arith.muli %parallel_loop3A_5, %parallel_loop3A_10 : i32
      %parallel_loop3A_12 = vector.broadcast %parallel_loop3A_11 : i32 to vector<16xi32>
      %parallel_loop3A_13 = arith.addi %parallel_loop3A_12, %iota3A : vector<16xi32>
      %parallel_loop3A_14 = arith.constant 0 : i32
      %parallel_loop3A_15 = vector.broadcast %parallel_loop3A_14 : i32 to vector<16xi32>
      %parallel_loop3A_16 = tpu.vector_load_idx %arg6[%parallel_loop3A_15, %parallel_loop3A_9] : memref<32x512xf32, #tpu.memory_space<vmem>>[vector<16xi32>, vector<16xi32>], vector<16xf32>,
      tpu.vector_store_idx %arg7[%parallel_loop3A_15, %parallel_loop3A_13], %parallel_loop3A_16 : memref<32x2048xf32, #tpu.memory_space<vmem>>[vector<16xi32>, vector<16xi32>], vector<16xf32>,
      %parallel_loop3A_17 = arith.constant 1 : i32
      %parallel_loop3A_18 = vector.broadcast %parallel_loop3A_17 : i32 to vector<16xi32>
      %parallel_loop3A_19 = tpu.vector_load_idx %arg6[%parallel_loop3A_18, %parallel_loop3A_9] : memref<32x512xf32, #tpu.memory_space<vmem>>[vector<16xi32>, vector<16xi32>], vector<16xf32>,
      tpu.vector_store_idx %arg7[%parallel_loop3A_18, %parallel_loop3A_13], %parallel_loop3A_19 : memref<32x2048xf32, #tpu.memory_space<vmem>>[vector<16xi32>, vector<16xi32>], vector<16xf32>,
      %parallel_loop3A_20 = arith.constant 2 : i32
      %parallel_loop3A_21 = vector.broadcast %parallel_loop3A_20 : i32 to vector<16xi32>
      %parallel_loop3A_22 = tpu.vector_load_idx %arg6[%parallel_loop3A_21, %parallel_loop3A_9] : memref<32x512xf32, #tpu.memory_space<vmem>>[vector<16xi32>, vector<16xi32>], vector<16xf32>,
      tpu.vector_store_idx %arg7[%parallel_loop3A_21, %parallel_loop3A_13], %parallel_loop3A_22 : memref<32x2048xf32, #tpu.memory_space<vmem>>[vector<16xi32>, vector<16xi32>], vector<16xf32>,
      %parallel_loop3A_23 = arith.constant 3 : i32
      %parallel_loop3A_24 = vector.broadcast %parallel_loop3A_23 : i32 to vector<16xi32>
      %parallel_loop3A_25 = tpu.vector_load_idx %arg6[%parallel_loop3A_24, %parallel_loop3A_9] : memref<32x512xf32, #tpu.memory_space<vmem>>[vector<16xi32>, vector<16xi32>], vector<16xf32>,
      tpu.vector_store_idx %arg7[%parallel_loop3A_24, %parallel_loop3A_13], %parallel_loop3A_25 : memref<32x2048xf32, #tpu.memory_space<vmem>>[vector<16xi32>, vector<16xi32>], vector<16xf32>,
      %parallel_loop3A_26 = arith.constant 4 : i32
      %parallel_loop3A_27 = vector.broadcast %parallel_loop3A_26 : i32 to vector<16xi32>
      %parallel_loop3A_28 = tpu.vector_load_idx %arg6[%parallel_loop3A_27, %parallel_loop3A_9] : memref<32x512xf32, #tpu.memory_space<vmem>>[vector<16xi32>, vector<16xi32>], vector<16xf32>,
      tpu.vector_store_idx %arg7[%parallel_loop3A_27, %parallel_loop3A_13], %parallel_loop3A_28 : memref<32x2048xf32, #tpu.memory_space<vmem>>[vector<16xi32>, vector<16xi32>], vector<16xf32>,
      %parallel_loop3A_29 = arith.constant 5 : i32
      %parallel_loop3A_30 = vector.broadcast %parallel_loop3A_29 : i32 to vector<16xi32>
      %parallel_loop3A_31 = tpu.vector_load_idx %arg6[%parallel_loop3A_30, %parallel_loop3A_9] : memref<32x512xf32, #tpu.memory_space<vmem>>[vector<16xi32>, vector<16xi32>], vector<16xf32>,
      tpu.vector_store_idx %arg7[%parallel_loop3A_30, %parallel_loop3A_13], %parallel_loop3A_31 : memref<32x2048xf32, #tpu.memory_space<vmem>>[vector<16xi32>, vector<16xi32>], vector<16xf32>,
      %parallel_loop3A_32 = arith.constant 6 : i32
      %parallel_loop3A_33 = vector.broadcast %parallel_loop3A_32 : i32 to vector<16xi32>
      %parallel_loop3A_34 = tpu.vector_load_idx %arg6[%parallel_loop3A_33, %parallel_loop3A_9] : memref<32x512xf32, #tpu.memory_space<vmem>>[vector<16xi32>, vector<16xi32>], vector<16xf32>,
      tpu.vector_store_idx %arg7[%parallel_loop3A_33, %parallel_loop3A_13], %parallel_loop3A_34 : memref<32x2048xf32, #tpu.memory_space<vmem>>[vector<16xi32>, vector<16xi32>], vector<16xf32>,
      %parallel_loop3A_35 = arith.constant 7 : i32
      %parallel_loop3A_36 = vector.broadcast %parallel_loop3A_35 : i32 to vector<16xi32>
      %parallel_loop3A_37 = tpu.vector_load_idx %arg6[%parallel_loop3A_36, %parallel_loop3A_9] : memref<32x512xf32, #tpu.memory_space<vmem>>[vector<16xi32>, vector<16xi32>], vector<16xf32>,
      tpu.vector_store_idx %arg7[%parallel_loop3A_36, %parallel_loop3A_13], %parallel_loop3A_37 : memref<32x2048xf32, #tpu.memory_space<vmem>>[vector<16xi32>, vector<16xi32>], vector<16xf32>,
      %parallel_loop3A_38 = arith.constant 8 : i32
      %parallel_loop3A_39 = vector.broadcast %parallel_loop3A_38 : i32 to vector<16xi32>
      %parallel_loop3A_40 = tpu.vector_load_idx %arg6[%parallel_loop3A_39, %parallel_loop3A_9] : memref<32x512xf32, #tpu.memory_space<vmem>>[vector<16xi32>, vector<16xi32>], vector<16xf32>,
      tpu.vector_store_idx %arg7[%parallel_loop3A_39, %parallel_loop3A_13], %parallel_loop3A_40 : memref<32x2048xf32, #tpu.memory_space<vmem>>[vector<16xi32>, vector<16xi32>], vector<16xf32>,
      %parallel_loop3A_41 = arith.constant 9 : i32
      %parallel_loop3A_42 = vector.broadcast %parallel_loop3A_41 : i32 to vector<16xi32>
      %parallel_loop3A_43 = tpu.vector_load_idx %arg6[%parallel_loop3A_42, %parallel_loop3A_9] : memref<32x512xf32, #tpu.memory_space<vmem>>[vector<16xi32>, vector<16xi32>], vector<16xf32>,
      tpu.vector_store_idx %arg7[%parallel_loop3A_42, %parallel_loop3A_13], %parallel_loop3A_43 : memref<32x2048xf32, #tpu.memory_space<vmem>>[vector<16xi32>, vector<16xi32>], vector<16xf32>,
      %parallel_loop3A_44 = arith.constant 10 : i32
      %parallel_loop3A_45 = vector.broadcast %parallel_loop3A_44 : i32 to vector<16xi32>
      %parallel_loop3A_46 = tpu.vector_load_idx %arg6[%parallel_loop3A_45, %parallel_loop3A_9] : memref<32x512xf32, #tpu.memory_space<vmem>>[vector<16xi32>, vector<16xi32>], vector<16xf32>,
      tpu.vector_store_idx %arg7[%parallel_loop3A_45, %parallel_loop3A_13], %parallel_loop3A_46 : memref<32x2048xf32, #tpu.memory_space<vmem>>[vector<16xi32>, vector<16xi32>], vector<16xf32>,
      %parallel_loop3A_47 = arith.constant 11 : i32
      %parallel_loop3A_48 = vector.broadcast %parallel_loop3A_47 : i32 to vector<16xi32>
      %parallel_loop3A_49 = tpu.vector_load_idx %arg6[%parallel_loop3A_48, %parallel_loop3A_9] : memref<32x512xf32, #tpu.memory_space<vmem>>[vector<16xi32>, vector<16xi32>], vector<16xf32>,
      tpu.vector_store_idx %arg7[%parallel_loop3A_48, %parallel_loop3A_13], %parallel_loop3A_49 : memref<32x2048xf32, #tpu.memory_space<vmem>>[vector<16xi32>, vector<16xi32>], vector<16xf32>,
      %parallel_loop3A_50 = arith.constant 12 : i32
      %parallel_loop3A_51 = vector.broadcast %parallel_loop3A_50 : i32 to vector<16xi32>
      %parallel_loop3A_52 = tpu.vector_load_idx %arg6[%parallel_loop3A_51, %parallel_loop3A_9] : memref<32x512xf32, #tpu.memory_space<vmem>>[vector<16xi32>, vector<16xi32>], vector<16xf32>,
      tpu.vector_store_idx %arg7[%parallel_loop3A_51, %parallel_loop3A_13], %parallel_loop3A_52 : memref<32x2048xf32, #tpu.memory_space<vmem>>[vector<16xi32>, vector<16xi32>], vector<16xf32>,
      %parallel_loop3A_53 = arith.constant 13 : i32
      %parallel_loop3A_54 = vector.broadcast %parallel_loop3A_53 : i32 to vector<16xi32>
      %parallel_loop3A_55 = tpu.vector_load_idx %arg6[%parallel_loop3A_54, %parallel_loop3A_9] : memref<32x512xf32, #tpu.memory_space<vmem>>[vector<16xi32>, vector<16xi32>], vector<16xf32>,
      tpu.vector_store_idx %arg7[%parallel_loop3A_54, %parallel_loop3A_13], %parallel_loop3A_55 : memref<32x2048xf32, #tpu.memory_space<vmem>>[vector<16xi32>, vector<16xi32>], vector<16xf32>,
      %parallel_loop3A_56 = arith.constant 14 : i32
      %parallel_loop3A_57 = vector.broadcast %parallel_loop3A_56 : i32 to vector<16xi32>
      %parallel_loop3A_58 = tpu.vector_load_idx %arg6[%parallel_loop3A_57, %parallel_loop3A_9] : memref<32x512xf32, #tpu.memory_space<vmem>>[vector<16xi32>, vector<16xi32>], vector<16xf32>,
      tpu.vector_store_idx %arg7[%parallel_loop3A_57, %parallel_loop3A_13], %parallel_loop3A_58 : memref<32x2048xf32, #tpu.memory_space<vmem>>[vector<16xi32>, vector<16xi32>], vector<16xf32>,
      %parallel_loop3A_59 = arith.constant 15 : i32
      %parallel_loop3A_60 = vector.broadcast %parallel_loop3A_59 : i32 to vector<16xi32>
      %parallel_loop3A_61 = tpu.vector_load_idx %arg6[%parallel_loop3A_60, %parallel_loop3A_9] : memref<32x512xf32, #tpu.memory_space<vmem>>[vector<16xi32>, vector<16xi32>], vector<16xf32>,
      tpu.vector_store_idx %arg7[%parallel_loop3A_60, %parallel_loop3A_13], %parallel_loop3A_61 : memref<32x2048xf32, #tpu.memory_space<vmem>>[vector<16xi32>, vector<16xi32>], vector<16xf32>,
      %parallel_loop3A_62 = arith.constant 16 : i32
      %parallel_loop3A_63 = vector.broadcast %parallel_loop3A_62 : i32 to vector<16xi32>
      %parallel_loop3A_64 = tpu.vector_load_idx %arg6[%parallel_loop3A_63, %parallel_loop3A_9] : memref<32x512xf32, #tpu.memory_space<vmem>>[vector<16xi32>, vector<16xi32>], vector<16xf32>,
      tpu.vector_store_idx %arg7[%parallel_loop3A_63, %parallel_loop3A_13], %parallel_loop3A_64 : memref<32x2048xf32, #tpu.memory_space<vmem>>[vector<16xi32>, vector<16xi32>], vector<16xf32>,
      %parallel_loop3A_65 = arith.constant 17 : i32
      %parallel_loop3A_66 = vector.broadcast %parallel_loop3A_65 : i32 to vector<16xi32>
      %parallel_loop3A_67 = tpu.vector_load_idx %arg6[%parallel_loop3A_66, %parallel_loop3A_9] : memref<32x512xf32, #tpu.memory_space<vmem>>[vector<16xi32>, vector<16xi32>], vector<16xf32>,
      tpu.vector_store_idx %arg7[%parallel_loop3A_66, %parallel_loop3A_13], %parallel_loop3A_67 : memref<32x2048xf32, #tpu.memory_space<vmem>>[vector<16xi32>, vector<16xi32>], vector<16xf32>,
      %parallel_loop3A_68 = arith.constant 18 : i32
      %parallel_loop3A_69 = vector.broadcast %parallel_loop3A_68 : i32 to vector<16xi32>
      %parallel_loop3A_70 = tpu.vector_load_idx %arg6[%parallel_loop3A_69, %parallel_loop3A_9] : memref<32x512xf32, #tpu.memory_space<vmem>>[vector<16xi32>, vector<16xi32>], vector<16xf32>,
      tpu.vector_store_idx %arg7[%parallel_loop3A_69, %parallel_loop3A_13], %parallel_loop3A_70 : memref<32x2048xf32, #tpu.memory_space<vmem>>[vector<16xi32>, vector<16xi32>], vector<16xf32>,
      %parallel_loop3A_71 = arith.constant 19 : i32
      %parallel_loop3A_72 = vector.broadcast %parallel_loop3A_71 : i32 to vector<16xi32>
      %parallel_loop3A_73 = tpu.vector_load_idx %arg6[%parallel_loop3A_72, %parallel_loop3A_9] : memref<32x512xf32, #tpu.memory_space<vmem>>[vector<16xi32>, vector<16xi32>], vector<16xf32>,
      tpu.vector_store_idx %arg7[%parallel_loop3A_72, %parallel_loop3A_13], %parallel_loop3A_73 : memref<32x2048xf32, #tpu.memory_space<vmem>>[vector<16xi32>, vector<16xi32>], vector<16xf32>,
      %parallel_loop3A_74 = arith.constant 20 : i32
      %parallel_loop3A_75 = vector.broadcast %parallel_loop3A_74 : i32 to vector<16xi32>
      %parallel_loop3A_76 = tpu.vector_load_idx %arg6[%parallel_loop3A_75, %parallel_loop3A_9] : memref<32x512xf32, #tpu.memory_space<vmem>>[vector<16xi32>, vector<16xi32>], vector<16xf32>,
      tpu.vector_store_idx %arg7[%parallel_loop3A_75, %parallel_loop3A_13], %parallel_loop3A_76 : memref<32x2048xf32, #tpu.memory_space<vmem>>[vector<16xi32>, vector<16xi32>], vector<16xf32>,
      %parallel_loop3A_77 = arith.constant 21 : i32
      %parallel_loop3A_78 = vector.broadcast %parallel_loop3A_77 : i32 to vector<16xi32>
      %parallel_loop3A_79 = tpu.vector_load_idx %arg6[%parallel_loop3A_78, %parallel_loop3A_9] : memref<32x512xf32, #tpu.memory_space<vmem>>[vector<16xi32>, vector<16xi32>], vector<16xf32>,
      tpu.vector_store_idx %arg7[%parallel_loop3A_78, %parallel_loop3A_13], %parallel_loop3A_79 : memref<32x2048xf32, #tpu.memory_space<vmem>>[vector<16xi32>, vector<16xi32>], vector<16xf32>,
      %parallel_loop3A_80 = arith.constant 22 : i32
      %parallel_loop3A_81 = vector.broadcast %parallel_loop3A_80 : i32 to vector<16xi32>
      %parallel_loop3A_82 = tpu.vector_load_idx %arg6[%parallel_loop3A_81, %parallel_loop3A_9] : memref<32x512xf32, #tpu.memory_space<vmem>>[vector<16xi32>, vector<16xi32>], vector<16xf32>,
      tpu.vector_store_idx %arg7[%parallel_loop3A_81, %parallel_loop3A_13], %parallel_loop3A_82 : memref<32x2048xf32, #tpu.memory_space<vmem>>[vector<16xi32>, vector<16xi32>], vector<16xf32>,
      %parallel_loop3A_83 = arith.constant 23 : i32
      %parallel_loop3A_84 = vector.broadcast %parallel_loop3A_83 : i32 to vector<16xi32>
      %parallel_loop3A_85 = tpu.vector_load_idx %arg6[%parallel_loop3A_84, %parallel_loop3A_9] : memref<32x512xf32, #tpu.memory_space<vmem>>[vector<16xi32>, vector<16xi32>], vector<16xf32>,
      tpu.vector_store_idx %arg7[%parallel_loop3A_84, %parallel_loop3A_13], %parallel_loop3A_85 : memref<32x2048xf32, #tpu.memory_space<vmem>>[vector<16xi32>, vector<16xi32>], vector<16xf32>,
      %parallel_loop3A_86 = arith.constant 24 : i32
      %parallel_loop3A_87 = vector.broadcast %parallel_loop3A_86 : i32 to vector<16xi32>
      %parallel_loop3A_88 = tpu.vector_load_idx %arg6[%parallel_loop3A_87, %parallel_loop3A_9] : memref<32x512xf32, #tpu.memory_space<vmem>>[vector<16xi32>, vector<16xi32>], vector<16xf32>,
      tpu.vector_store_idx %arg7[%parallel_loop3A_87, %parallel_loop3A_13], %parallel_loop3A_88 : memref<32x2048xf32, #tpu.memory_space<vmem>>[vector<16xi32>, vector<16xi32>], vector<16xf32>,
      %parallel_loop3A_89 = arith.constant 25 : i32
      %parallel_loop3A_90 = vector.broadcast %parallel_loop3A_89 : i32 to vector<16xi32>
      %parallel_loop3A_91 = tpu.vector_load_idx %arg6[%parallel_loop3A_90, %parallel_loop3A_9] : memref<32x512xf32, #tpu.memory_space<vmem>>[vector<16xi32>, vector<16xi32>], vector<16xf32>,
      tpu.vector_store_idx %arg7[%parallel_loop3A_90, %parallel_loop3A_13], %parallel_loop3A_91 : memref<32x2048xf32, #tpu.memory_space<vmem>>[vector<16xi32>, vector<16xi32>], vector<16xf32>,
      %parallel_loop3A_92 = arith.constant 26 : i32
      %parallel_loop3A_93 = vector.broadcast %parallel_loop3A_92 : i32 to vector<16xi32>
      %parallel_loop3A_94 = tpu.vector_load_idx %arg6[%parallel_loop3A_93, %parallel_loop3A_9] : memref<32x512xf32, #tpu.memory_space<vmem>>[vector<16xi32>, vector<16xi32>], vector<16xf32>,
      tpu.vector_store_idx %arg7[%parallel_loop3A_93, %parallel_loop3A_13], %parallel_loop3A_94 : memref<32x2048xf32, #tpu.memory_space<vmem>>[vector<16xi32>, vector<16xi32>], vector<16xf32>,
      %parallel_loop3A_95 = arith.constant 27 : i32
      %parallel_loop3A_96 = vector.broadcast %parallel_loop3A_95 : i32 to vector<16xi32>
      %parallel_loop3A_97 = tpu.vector_load_idx %arg6[%parallel_loop3A_96, %parallel_loop3A_9] : memref<32x512xf32, #tpu.memory_space<vmem>>[vector<16xi32>, vector<16xi32>], vector<16xf32>,
      tpu.vector_store_idx %arg7[%parallel_loop3A_96, %parallel_loop3A_13], %parallel_loop3A_97 : memref<32x2048xf32, #tpu.memory_space<vmem>>[vector<16xi32>, vector<16xi32>], vector<16xf32>,
      %parallel_loop3A_98 = arith.constant 28 : i32
      %parallel_loop3A_99 = vector.broadcast %parallel_loop3A_98 : i32 to vector<16xi32>
      %parallel_loop3A_100 = tpu.vector_load_idx %arg6[%parallel_loop3A_99, %parallel_loop3A_9] : memref<32x512xf32, #tpu.memory_space<vmem>>[vector<16xi32>, vector<16xi32>], vector<16xf32>,
      tpu.vector_store_idx %arg7[%parallel_loop3A_99, %parallel_loop3A_13], %parallel_loop3A_100 : memref<32x2048xf32, #tpu.memory_space<vmem>>[vector<16xi32>, vector<16xi32>], vector<16xf32>,
      %parallel_loop3A_101 = arith.constant 29 : i32
      %parallel_loop3A_102 = vector.broadcast %parallel_loop3A_101 : i32 to vector<16xi32>
      %parallel_loop3A_103 = tpu.vector_load_idx %arg6[%parallel_loop3A_102, %parallel_loop3A_9] : memref<32x512xf32, #tpu.memory_space<vmem>>[vector<16xi32>, vector<16xi32>], vector<16xf32>,
      tpu.vector_store_idx %arg7[%parallel_loop3A_102, %parallel_loop3A_13], %parallel_loop3A_103 : memref<32x2048xf32, #tpu.memory_space<vmem>>[vector<16xi32>, vector<16xi32>], vector<16xf32>,
      %parallel_loop3A_104 = arith.constant 30 : i32
      %parallel_loop3A_105 = vector.broadcast %parallel_loop3A_104 : i32 to vector<16xi32>
      %parallel_loop3A_106 = tpu.vector_load_idx %arg6[%parallel_loop3A_105, %parallel_loop3A_9] : memref<32x512xf32, #tpu.memory_space<vmem>>[vector<16xi32>, vector<16xi32>], vector<16xf32>,
      tpu.vector_store_idx %arg7[%parallel_loop3A_105, %parallel_loop3A_13], %parallel_loop3A_106 : memref<32x2048xf32, #tpu.memory_space<vmem>>[vector<16xi32>, vector<16xi32>], vector<16xf32>,
      %parallel_loop3A_107 = arith.constant 31 : i32
      %parallel_loop3A_108 = vector.broadcast %parallel_loop3A_107 : i32 to vector<16xi32>
      %parallel_loop3A_109 = tpu.vector_load_idx %arg6[%parallel_loop3A_108, %parallel_loop3A_9] : memref<32x512xf32, #tpu.memory_space<vmem>>[vector<16xi32>, vector<16xi32>], vector<16xf32>,
      tpu.vector_store_idx %arg7[%parallel_loop3A_108, %parallel_loop3A_13], %parallel_loop3A_109 : memref<32x2048xf32, #tpu.memory_space<vmem>>[vector<16xi32>, vector<16xi32>], vector<16xf32>,
    } {sc.loop_unroll_factor = 8 : i64, sc.parallel_access}
    "tpu.region"() ({
      %run_scoped3A = tpu.sem_alloc : memref<!tpu.dma_semaphore, #tpu.memory_space<semaphore_mem>>
      %dma_start3A = arith.constant 0 : i32
      %dma_start3A_5 = tpu.memref_slice %arg4[%dma_start3A, %mul3A_2] : memref<32x65536xf32, #tpu.memory_space<hbm>> -> memref<32x2048xf32, #tpu.memory_space<hbm>>
      %dma_start3A_6 = arith.constant 0 : i32
      %dma_start3A_7 = tpu.memref_slice %arg4[%dma_start3A_6, %mul3A_2] : memref<32x65536xf32, #tpu.memory_space<hbm>> -> memref<32x2048xf32, #tpu.memory_space<hbm>>
      tpu.enqueue_dma source(%arg7 : memref<32x2048xf32, #tpu.memory_space<vmem>>) target(%dma_start3A_7 : memref<32x2048xf32, #tpu.memory_space<hbm>>) target_semaphore(%run_scoped3A : memref<!tpu.dma_semaphore, #tpu.memory_space<semaphore_mem>>)
      %dma_wait3A = arith.constant 0 : i32
      %dma_wait3A_8 = tpu.memref_slice %arg4[%dma_wait3A, %mul3A_2] : memref<32x65536xf32, #tpu.memory_space<hbm>> -> memref<32x2048xf32, #tpu.memory_space<hbm>>
      %dma_wait3A_9 = arith.constant 0 : i32
      %dma_wait3A_10 = tpu.memref_slice %arg4[%dma_wait3A_9, %mul3A_2] : memref<32x65536xf32, #tpu.memory_space<hbm>> -> memref<32x2048xf32, #tpu.memory_space<hbm>>
      tpu.wait_dma2 semaphore(%run_scoped3A : memref<!tpu.dma_semaphore, #tpu.memory_space<semaphore_mem>>) src(%arg7 : memref<32x2048xf32, #tpu.memory_space<vmem>>) dst(%dma_wait3A_10 : memref<32x2048xf32, #tpu.memory_space<hbm>>)
      tpu.yield
    }) : () -> ()
    return
  }
}

module attributes {stable_mosaic.version = 14 : i64} {
  func.func @_dist_argmin_body(%arg0: i32, %arg1: memref<32x16384xf32, #tpu.memory_space<vmem>>, %arg2: memref<32x512xf32, #tpu.memory_space<vmem>>, %arg3: memref<16384xi32, #tpu.memory_space<vmem>>, %arg4: memref<1x1xf32, #tpu.memory_space<vmem>>) attributes {dimension_semantics = [#tpu.dimension_semantics<arbitrary>], iteration_bounds = array<i64: 4>, scalar_prefetch = 0 : i64, scratch_operands = 0 : i64, tpu.core_type = #tpu.core_type<tc>, window_params = [{transform_indices = @transform_0, window_bounds = array<i64: 32, 16384>}, {pipeline_mode = #tpu.pipeline_mode<synchronous>, transform_indices = @transform_1, window_bounds = array<i64: 32, 512>}, {transform_indices = @transform_2, window_bounds = array<i64: 16384>}, {pipeline_mode = #tpu.pipeline_mode<synchronous>, transform_indices = @transform_3, window_bounds = array<i64: 1, 1>}]} {
    %get3A = arith.constant 0 : index
    %get3A_0 = arith.constant 0 : index
    %get3A_1 = vector.load %arg1[%get3A, %get3A_0] : memref<32x16384xf32, #tpu.memory_space<vmem>>, vector<32x16384xf32>
    %get3A_2 = arith.constant 0 : index
    %get3A_3 = arith.constant 0 : index
    %get3A_4 = vector.load %arg2[%get3A_2, %get3A_3] : memref<32x512xf32, #tpu.memory_space<vmem>>, vector<32x512xf32>
    %mul3A = arith.constant -2.000000e+00 : f32
    %mul3A_5 = vector.broadcast %mul3A : f32 to vector<32x512xf32>
    %mul3A_6 = arith.mulf %mul3A_5, %get3A_4 : vector<32x512xf32>
    %dot_general3A = arith.constant dense<0.000000e+00> : vector<512x16384xf32>
    %dot_general3A_7 = tpu.matmul %mul3A_6, %get3A_1, %dot_general3A {dimension_numbers = #tpu.dot_dimension_numbers<[0], [0], [1], [1], [0, 1, 1, 1], [], []>, transpose_lhs_hint = false} : vector<32x512xf32>, vector<32x16384xf32>, vector<512x16384xf32> -> vector<512x16384xf32>
    %mul3A_8 = arith.mulf %get3A_4, %get3A_4 : vector<32x512xf32>
    %reduce_sum3A = arith.constant dense<0.000000e+00> : vector<512xf32>
    %reduce_sum3A_9 = vector.multi_reduction <add>, %mul3A_8, %reduce_sum3A [0] : vector<32x512xf32> to vector<512xf32>
    %broadcast_in_dim3A = vector.shape_cast %reduce_sum3A_9 : vector<512xf32> to vector<512x1xf32>
    %add3A = vector.broadcast %broadcast_in_dim3A : vector<512x1xf32> to vector<512x16384xf32>
    %add3A_10 = arith.addf %add3A, %dot_general3A_7 : vector<512x16384xf32>
    %argmin3A = tpu.reduce_index %add3A_10 {axis = 0 : i32, kind = #tpu.reduction_kind<arg_min>} : vector<512x16384xf32> -> vector<16384xi32>
    %swap3A = arith.constant 0 : index
    %swap3A_11 = vector.load %arg3[%swap3A] : memref<16384xi32, #tpu.memory_space<vmem>>, vector<16384xi32>
    tpu.vector_store %arg3[%swap3A], %argmin3A {strides = array<i32>} : memref<16384xi32, #tpu.memory_space<vmem>>, vector<16384xi32>,
    %reduce_min3A = arith.constant dense<0x7F800000> : vector<16384xf32>
    %reduce_min3A_12 = vector.multi_reduction <minimumf>, %add3A_10, %reduce_min3A [0] : vector<512x16384xf32> to vector<16384xf32>
    %reduce_sum3A_13 = vector.shape_cast %reduce_min3A_12 : vector<16384xf32> to vector<1x16384xf32>
    %reduce_sum3A_14 = arith.constant dense<0.000000e+00> : vector<1xf32>
    %reduce_sum3A_15 = vector.multi_reduction <add>, %reduce_sum3A_13, %reduce_sum3A_14 [1] : vector<1x16384xf32> to vector<1xf32>
    %reduce_sum3A_16 = vector.shape_cast %reduce_sum3A_15 : vector<1xf32> to vector<1x1xf32>
    %reduce_sum3A_17 = vector.extract %reduce_sum3A_16[0, 0] : f32 from vector<1x1xf32>
    %mul3A_18 = arith.mulf %get3A_1, %get3A_1 : vector<32x16384xf32>
    %reduce_sum3A_19 = vector.shape_cast %mul3A_18 : vector<32x16384xf32> to vector<1x32x16384xf32>
    %reduce_sum3A_20 = arith.constant dense<0.000000e+00> : vector<1xf32>
    %reduce_sum3A_21 = vector.multi_reduction <add>, %reduce_sum3A_19, %reduce_sum3A_20 [1, 2] : vector<1x32x16384xf32> to vector<1xf32>
    %reduce_sum3A_22 = vector.shape_cast %reduce_sum3A_21 : vector<1xf32> to vector<1x1x1xf32>
    %reduce_sum3A_23 = vector.extract %reduce_sum3A_22[0, 0, 0] : f32 from vector<1x1x1xf32>
    %add3A_24 = arith.addf %reduce_sum3A_17, %reduce_sum3A_23 : f32
    %eq3A = arith.constant 0 : i32
    %eq3A_25 = arith.cmpi eq, %arg0, %eq3A : i32
    %convert_element_type3A = arith.extui %eq3A_25 : i1 to i32
    %cond3A = arith.constant 0 : i32
    %cond3A_26 = arith.cmpi ne, %convert_element_type3A, %cond3A : i32
    scf.if %cond3A_26 {
      %broadcast_in_dim3A_35 = arith.constant 0.000000e+00 : f32
      %broadcast_in_dim3A_36 = vector.broadcast %broadcast_in_dim3A_35 : f32 to vector<1x1xf32>
      %swap3A_37 = arith.constant 0 : index
      %swap3A_38 = arith.constant 0 : index
      %swap3A_39 = vector.load %arg4[%swap3A_37, %swap3A_38] : memref<1x1xf32, #tpu.memory_space<vmem>>, vector<1x1xf32>
      tpu.vector_store %arg4[%swap3A_37, %swap3A_38], %broadcast_in_dim3A_36 {strides = array<i32>} : memref<1x1xf32, #tpu.memory_space<vmem>>, vector<1x1xf32>,
    } else {
    }
    %get3A_27 = arith.constant 0 : index
    %get3A_28 = arith.constant 0 : index
    %get3A_29 = vector.load %arg4[%get3A_27, %get3A_28] : memref<1x1xf32, #tpu.memory_space<vmem>>, vector<1x1xf32>
    %add3A_30 = vector.broadcast %add3A_24 : f32 to vector<1x1xf32>
    %add3A_31 = arith.addf %get3A_29, %add3A_30 : vector<1x1xf32>
    %swap3A_32 = arith.constant 0 : index
    %swap3A_33 = arith.constant 0 : index
    %swap3A_34 = vector.load %arg4[%swap3A_32, %swap3A_33] : memref<1x1xf32, #tpu.memory_space<vmem>>, vector<1x1xf32>
    tpu.vector_store %arg4[%swap3A_32, %swap3A_33], %add3A_31 {strides = array<i32>} : memref<1x1xf32, #tpu.memory_space<vmem>>, vector<1x1xf32>,
    return
  }
  func.func @transform_0(%arg0: i32) -> (i32, i32) {
    %c0_i32 = arith.constant 0 : i32
    %c0_i32_0 = arith.constant 0 : i32
    return %c0_i32, %arg0 : i32, i32
  }
  func.func @transform_1(%arg0: i32) -> (i32, i32) {
    %c0_i32 = arith.constant 0 : i32
    %c0_i32_0 = arith.constant 0 : i32
    %c0_i32_1 = arith.constant 0 : i32
    return %c0_i32, %c0_i32_0 : i32, i32
  }
  func.func @transform_2(%arg0: i32) -> i32 {
    %c0_i32 = arith.constant 0 : i32
    return %arg0 : i32
  }
  func.func @transform_3(%arg0: i32) -> (i32, i32) {
    %c0_i32 = arith.constant 0 : i32
    %c0_i32_0 = arith.constant 0 : i32
    %c0_i32_1 = arith.constant 0 : i32
    return %c0_i32, %c0_i32_0 : i32, i32
  }
}

</mosaic_0001>

<sc_bundles>
// kernel: kernel.4.cloned.1.call-start
scs
__scs_entry_jumppad:
0x0: {  	(pc) =	sbr.rel $0x88, $3  }
0x1: {  	(tag) =	ssettag $0x0;
	lr =	simm.s32 $0x1  }
0x2: {  	[smem:$0x3F9F] =	sst lr;
	_ =	strace $0xD0000000  }
0x3: {  	_ = 	snop  }
0x4: {  	_ = 	snop  }
0x5: {  	_ = 	snop  }
0x6: {  	_ = 	snop  }
0x7: {  	_ = 	snop  }
__scs_overlays_trampoline_lowered:
0x8: {  	[smem:$0x3FAE] =	sst s0  }
0x9: {  	[smem:$0x3FAF] =	sst s1  }
0xa: {  	[smem:$0x3FB0] =	sst s2  }
0xb: {  	[smem:$0x3FB1] =	sst s3  }
0xc: {  	[smem:$0x3FB2] =	sst s4  }
0xd: {  	[smem:$0x3FB3] =	sst s5  }
0xe: {  	[smem:$0x3FB4] =	sst s6  }
0xf: {  	[smem:$0x3FB5] =	sst s7  }
0x10: {  	[smem:$0x3FB6] =	sst s8  }
0x11: {  	[smem:$0x3FB7] =	sst s9;
	s0 =	simm.s32 @!p0 $0x0  }
0x12: {  	s1 =	sld [smem:$0x3F9D];
	s0 =	simm.s32 @p0 $0x1  }
0x13: {  	[smem:$0x3FB8] =	sst s0;
	s0 =	simm.s32 @!p1 $0x0  }
0x14: {  	s2 =	sld [smem:$0x3F9C];
	s0 =	simm.s32 @p1 $0x1  }
0x15: {  	[smem:$0x3FB9] =	sst s0;
	s0 =	simm.s32 @!p2 $0x0  }
0x16: {  	s3 =	sld [smem:$0x3FDB];
	s0 =	simm.s32 @p2 $0x1  }
0x17: {  	s4 =	simm.s32 $0x1BF5;
	[smem:$0x3FBB] =	sst s0  }
0x18: {  	s0 =	sld [smem:$0x3F9E];
	_ =	swait.ge [sflag:s4], $0x0  }
0x19: {  	s7 =	sld [smem:$0x3F9F]  }
0x1a: {  	s8 =	sadd.s32 $0xFFFFE003, lr  }
0x1b: {  	s9 =	sadd.s32 $0xFFFFFEF7, lr;
	s5 =	simm.s32 $0xFFFFFFFF;
	p2 =	slt.u32 s8, $0xFFFFF086  }
0x1c: {  	p1 =	slt.u32 s9, $0xF7A;
	s5 =	simm.s32 @!p2 $0x0  }
0x1d: {  	s5 =	simm.s32 @p1 $0x1;
	p0 =	seq.s32 s7, s2  }
0x1e: {  	s7 =	smul.u32 @!p0 $0xF7A, s2;
	p2 =	seq.s32 @!p0 s5, $0x0  }
0x1f: {  	s9 =	smul.u32 $0xF7A, s1;
	s8 =	simm.s32 @!p0 $0x1BF5;
	p2 =	por !p2, p0  }
0x20: {  	[sflag:s8] =	ssyncset.s32 @!p0 $0xFFFFF086;
	s6 =	sadd.s32 @!p0 s3, s7;
	s7 =	simm.s32 @!p0 $0x108  }
0x21: {  	s3 =	sadd.s32 s3, s9;
	s6 =	sadd.s32 @!p0 $0x88, s6;
	s7 =	simm.s32 @p2 $0x1082  }
0x22: {  	[simem:s7], [sflag:s8] =	dma.local @!p0 [hbm:s6], $0xF7A  }
0x23: {  	s9 =	sor.u32 $0xD0000000, s2;
	s6 =	simm.s32 $0x108;
	_ =	swait.ge @!p0 [sflag:s8], $0x0  }
0x24: {  	s3 =	sadd.s32 $0x88, s3;
	s6 =	simm.s32 @!p1 $0x1082;
	[sflag:s4] =	ssyncset.s32 $0xFFFFF086  }
0x25: {  	[simem:s6], [sflag:s4] =	dma.local [hbm:s3], $0xF7A  }
0x26: {  	[smem:$0x3F9F] =	sst s1;
	(tag) =	ssettag s2;
	_ =	strace s9  }
0x27: {  	s1 =	sld [smem:$0x3FAF]  }
0x28: {  	s2 =	sld [smem:$0x3FB0]  }
0x29: {  	s4 =	sld [smem:$0x3FB2]  }
0x2a: {  	p0 =	seq.s32 s5, $0x0;
	s5 =	sld [smem:$0x3FB3]  }
0x2b: {  	s6 =	sld [smem:$0x3FB4]  }
0x2c: {  	s7 =	sld [smem:$0x3FB5]  }
0x2d: {  	s3 =	simm.s32 $0x108;
	s8 =	sld [smem:$0x3FB6]  }
0x2e: {  	s3 =	simm.s32 @!p0 $0x1082;
	s9 =	sld [smem:$0x3FB7]  }
0x2f: {  	lr =	sadd.s32 s0, s3;
	s0 =	sld [smem:$0x3FAE]  }
0x30: {  	s3 =	sld [smem:$0x3FB1]  }
0x31: {  	[smem:$0x3FBA] =	sst s10  }
0x32: {  	s10 =	sld [smem:$0x3FB8];
	_ =	sdelay $0x3  }
0x33: {  	p0 =	seq.s32 s10, $0x1;
	s10 =	sld [smem:$0x3FBA];
	_ =	sdelay $0x3  }
0x34: {  	[smem:$0x3FBA] =	sst s10  }
0x35: {  	s10 =	sld [smem:$0x3FB9];
	_ =	sdelay $0x3  }
0x36: {  	p1 =	seq.s32 s10, $0x1;
	s10 =	sld [smem:$0x3FBA];
	_ =	sdelay $0x3  }
0x37: {  	[smem:$0x3FBA] =	sst s10  }
0x38: {  	s10 =	sld [smem:$0x3FBB]  }
0x39: {  	_ = 	snop;
	(pc) =	sbr.ind lr, $3  }
0x3a: {  	_ = 	snop  }
0x3b: {  	_ = 	snop  }
0x3c: {  	p2 =	seq.s32 s10, $0x1;
	s10 =	sld [smem:$0x3FBA]  }
0x3d: {  	_ =	shalt  }
0x3e: {  	_ =	shalt  }
0x3f: {  	_ =	shalt  }
0x40: {  	_ =	shalt  }
0x41: {  	_ =	shalt  }
0x42: {  	_ =	shalt  }
0x43: {  	_ =	shalt  }
0x44: {  	_ =	shalt  }
0x45: {  	_ =	shalt  }
0x46: {  	_ =	shalt  }
0x47: {  	_ =	shalt  }
0x48: {  	_ =	shalt  }
0x49: {  	_ =	shalt  }
0x4a: {  	_ =	shalt  }
0x4b: {  	_ =	shalt  }
0x4c: {  	_ =	shalt  }
0x4d: {  	_ =	shalt  }
0x4e: {  	_ =	shalt  }
0x4f: {  	_ =	shalt  }
0x50: {  	_ =	shalt  }
0x51: {  	_ =	shalt  }
0x52: {  	_ =	shalt  }
0x53: {  	_ =	shalt  }
0x54: {  	_ =	shalt  }
0x55: {  	_ =	shalt  }
0x56: {  	_ =	shalt  }
0x57: {  	_ =	shalt  }
0x58: {  	_ =	shalt  }
0x59: {  	_ =	shalt  }
0x5a: {  	_ =	shalt  }
0x5b: {  	_ =	shalt  }
0x5c: {  	_ =	shalt  }
0x5d: {  	_ =	shalt  }
0x5e: {  	_ =	shalt  }
0x5f: {  	_ =	shalt  }
0x60: {  	_ =	shalt  }
0x61: {  	_ =	shalt  }
0x62: {  	_ =	shalt  }
0x63: {  	_ =	shalt  }
0x64: {  	_ =	shalt  }
0x65: {  	_ =	shalt  }
0x66: {  	_ =	shalt  }
0x67: {  	_ =	shalt  }
0x68: {  	_ =	shalt  }
0x69: {  	_ =	shalt  }
0x6a: {  	_ =	shalt  }
0x6b: {  	_ =	shalt  }
0x6c: {  	_ =	shalt  }
0x6d: {  	_ =	shalt  }
0x6e: {  	_ =	shalt  }
0x6f: {  	_ =	shalt  }
0x70: {  	_ =	shalt  }
0x71: {  	_ =	shalt  }
0x72: {  	_ =	shalt  }
0x73: {  	_ =	shalt  }
0x74: {  	_ =	shalt  }
0x75: {  	_ =	shalt  }
0x76: {  	_ =	shalt  }
0x77: {  	_ =	shalt  }
0x78: {  	_ =	shalt  }
0x79: {  	_ =	shalt  }
0x7a: {  	_ =	shalt  }
0x7b: {  	_ =	shalt  }
0x7c: {  	_ =	shalt  }
0x7d: {  	_ =	shalt  }
0x7e: {  	_ =	shalt  }
0x7f: {  	_ =	shalt  }
0x80: {  	_ =	shalt  }
0x81: {  	_ =	shalt  }
0x82: {  	_ =	shalt  }
0x83: {  	_ =	shalt  }
0x84: {  	_ =	shalt  }
0x85: {  	_ =	shalt  }
0x86: {  	_ =	shalt  }
0x87: {  	_ =	shalt  }
.Lfunc_end0:
.L_simem_size_0:
called_computation_lowered:
.L_overlay_start_0:
0x88: {  	s2 =	sld [smem:$0x3FD9]  }
0x89: {  	s3 =	sld [smem:$0x3FFE];
	_ =	sdelay $0x1  }
0x8a: {  	s1 =	srdreg.scid  }
0x8b: {  	s0 =	sand.u32 $0x1, s1  }
0x8c: {  	s15 =	sshll.u32 s0, $0xA;
	s2 =	sadd.s32 s3, s2  }
0x8d: {  	s2 =	sadd.s32 s2, s15  }
0x8e: {  	[smem:$0x3FC6] =	sst s2  }
0x8f: {  	_ = 	snop  }
0x90: {  	s2 =	sld [smem:$0x3FD0];
	_ =	sdelay $0x2  }
0x91: {  	s4 =	simm.s32 $0xA;
	s5 =	simm.s32 $0x10;
	s16 =	sld [smem:$0x3FC8]  }
0x92: {  	[smem:s5], [sflag:s4] =	dma.local [hbm:s2], $0x1  }
0x93: {  	_ =	swait.eq [sflag:s4], $0x1  }
0x94: {  	[sflag:s4] =	ssyncset.done $0x0  }
0x95: {  	s17 =	sld [smem:$0x10];
	[sflag:s4] =	ssyncadd.s32 $0xFFFFFFFF  }
0x96: {  	s18 =	sld [smem:$0x12];
	(tm) =	ssettm $0x1  }
0x97: {  	s19 =	sld [smem:$0x3FFB];
	_ =	sdelay $0x3  }
0x98: {  	_ =	strace s19  }
0x99: {  	s5 =	sld [smem:$0x3FFC];
	_ =	sdelay $0x3  }
0x9a: {  	_ =	strace s5  }
0x9b: {  	s5 =	sld [smem:$0x3FFD];
	_ =	sdelay $0x3  }
0x9c: {  	_ =	strace s5  }
0x9d: {  	_ =	strace $0x8FFFFFFF  }
0x9e: {  	s20 =	sld [smem:$0x3FDB];
	_ =	sdelay $0x1  }
0x9f: {  	s6 =	simm.s32 $_scs_section_size  }
0xa0: {  	s7 =	simm.s32 $_size__tile_overlayer_lowered;
	s8 =	simm.s32 $_tile_overlayer_lowered  }
0xa1: {  	s23 =	simm.s32 $0x1BFF;
	s22 =	sshll.u32 s8, $0x1;
	s5 =	sadd.s32 s6, s20  }
0xa2: {  	s9 =	simm.s32 $0x0;
	s21 =	sshll.u32 s7, $0x1;
	s7 =	sadd.s32 s22, s5  }
0xa3: {  	[timem:s9], [sflag:s23] =	dma.local [hbm:s7], s21  }
0xa4: {  	_ =	swait.ge [sflag:s23], s21  }
0xa5: {  	s6 =	ssub.s32 $0x0, s21;
	[sflag:s23] =	ssyncset.done $0x0  }
0xa6: {  	[sflag:s23] =	ssyncadd.s32 s6;
	_ =	sdelay $0x1  }
0xa7: {  	s24 =	simm.s32 $0x1B8B  }
0xa8: {  	_ =	swait.ge [sflag:s24], $0x1  }
0xa9: {  	[sflag:s24] =	ssyncset.done $0x0  }
0xaa: {  	s25 =	simm.s32 $0x1B8E;
	[sflag:s24] =	ssyncadd.s32 $0xFFFFFFFF  }
0xab: {  	s26 =	simm.s32 $execute0_lowered;
	[smem:$0x3FD2] =	sst s25  }
0xac: {  	s6 =	sshll.u32 s26, $0x1;
	_ =	strace $0x80000046;
	[dreg:$0x1] =	wrdreg $0xFFFFFFFF  }
0xad: {  	s28 =	simm.s32 $_size_execute0_lowered;
	s5 =	sadd.s32 s5, s6;
	[dreg:$0x0] =	wrdreg $0x0  }
0xae: {  	s6 =	sshll.u32 s28, $0x1;
	[dreg:$0x2] =	wrdreg s5  }
0xaf: {  	[dreg:$0x3] =	wrdreg s6  }
0xb0: {  	[dreg:$0x4] =	wrdreg $0xC0  }
0xb1: {  	_ =	task [dreg:s9], $0x5FFFF  }
0xb2: {  	[dreg:$0x1] =	wrdreg $0xFFFFFFFF  }
0xb3: {  	[dreg:$0x0] =	wrdreg $0x60  }
0xb4: {  	[dreg:$0x2] =	wrdreg s16  }
0xb5: {  	[dreg:$0x3] =	wrdreg s18  }
0xb6: {  	[dreg:$0x4] =	wrdreg s17  }
0xb7: {  	[dreg:$0x5] =	wrdreg $0x9  }
0xb8: {  	_ =	task.clear_ibuf [dreg:s9], $0x6FFFF;
	_ =	strace $0x90000046  }
0xb9: {  	s29 =	simm.s32 $0x9;
	_ =	strace $0x80000048  }
0xba: {  	_ =	swait.ge [sflag:s29], $0x1  }
0xbb: {  	[sflag:s29] =	ssyncadd.s32 $0xFFFFFFFF  }
0xbc: {  	_ =	strace $0x90000048  }
0xbd: {  	_ =	sfence  }
0xbe: {  	s30 =	sld [smem:$0x0];
	_ =	sdelay $0x2  }
0xbf: {  	s31 =	sshll.u32 s1, $0xD;
	s1 =	sshrl.u32 s1, $0x2  }
0xc0: {  	s3 =	sand.u32 $0x4000, s31;
	s1 =	sadd.s32 s1, s30  }
0xc1: {  	s0 =	sor.u32 s3, s0;
	s1 =	sshll.u32 s1, $0x11  }
0xc2: {  	s0 =	sor.u32 s1, s0  }
0xc3: {  	s0 =	sadd.s32 $0x8F2B, s0  }
0xc4: {  	[sflag:s0] =	ssyncadd.remote.s32 $0x1  }
0xc5: {  	_ =	sfence.sel $0xFFFF  }
0xc6: {  	[dreg:$0x0] =	wrdreg $0xFFFFFFFF;
	(pc) =	sbr.abs _section_cstart, $3  }
0xc7: {  	[dreg:$0x1] =	wrdreg $0xFFFFFFFF  }
0xc8: {  	_ =	task.clear_ibuf [dreg:s9], $0x2FFFF;
	_ =	strace $0x9FFFFFFF  }
0xc9: {  	(tm) =	ssettm $0x7FFFFFFF  }
tec
execute0_lowered:
.L_overlay_start_1:
0x0: {  	(tag) =	ssettag $0x1  }
0x1: {  	s0 =	rddreg [dreg:$0x0]  }
0x2: {  	s4 =	rddreg [dreg:$0x1]  }
0x3: {  	v0 =	vlaneseq.u32;
	s5 =	rddreg [dreg:$0x2];
	s3 =	simm.s32 $0x0  }
0x4: {  	[smem:$0x7FF] =	sst s3;
	v1 =	vor.u32 $0xC110, v0  }
0x5: {  	s1 =	rddreg [dreg:$0x3];
	v6 =	vor.u32 $0x80, v0;
	_ =	strace $0x80000047;
	[tilespmem:$0x1FE90] =	vst v1  }
0x6: {  	v7 =	vor.u32 $0x90, v0;
	[tilespmem:$0x1FEF0] =	vst v6  }
0x7: {  	v11 =	vor.u32 $0x4190, v0;
	[tilespmem:$0x1FF00] =	vst v7  }
0x8: {  	v15 =	vor.u32 $0x100, v0;
	v12 =	vor.u32 $0x4210, v0;
	[tilespmem:$0x1FF10] =	vst v11  }
0x9: {  	v17 =	vor.u32 $0x180, v0;
	v18 =	vor.u32 $0x200, v0;
	v8 =	vor.u32 $0x110, v0;
	[tilespmem:$0x1FF20] =	vst v12  }
0xa: {  	v20 =	vor.u32 $0x280, v0;
	v22 =	vor.u32 $0x300, v0;
	v26 =	vor.u32 $0x380, v0;
	[tilespmem:$0x1FF30] =	vst v8  }
0xb: {  	v27 =	vor.u32 $0x4000, v0;
	v29 =	vor.u32 $0x4080, v0;
	v33 =	vor.u32 $0x4100, v0;
	[tilespmem:$0x1FF40] =	vst v15  }
0xc: {  	v34 =	vor.u32 $0x4180, v0;
	v35 =	vor.u32 $0x4200, v0;
	v36 =	vor.u32 $0x4280, v0;
	[tilespmem:$0x1FF50] =	vst v17  }
0xd: {  	v37 =	vor.u32 $0x4300, v0;
	v38 =	vor.u32 $0x4380, v0;
	v39 =	vor.u32 $0x8000, v0;
	[tilespmem:$0x1FF60] =	vst v18  }
0xe: {  	v40 =	vor.u32 $0x8080, v0;
	v41 =	vor.u32 $0x8100, v0;
	v42 =	vor.u32 $0x8180, v0;
	[tilespmem:$0x1FF70] =	vst v20  }
0xf: {  	v43 =	vor.u32 $0x8200, v0;
	v44 =	vor.u32 $0x8280, v0;
	v45 =	vor.u32 $0x8300, v0;
	[tilespmem:$0x1FF80] =	vst v22  }
0x10: {  	v46 =	vor.u32 $0x8380, v0;
	v47 =	vor.u32 $0xC000, v0;
	v48 =	vor.u32 $0xC080, v0;
	[tilespmem:$0x1FF90] =	vst v26  }
0x11: {  	v49 =	vor.u32 $0xC100, v0;
	v50 =	vor.u32 $0xC180, v0;
	v51 =	vor.u32 $0xC200, v0;
	[tilespmem:$0x1FFA0] =	vst v27  }
0x12: {  	v52 =	vor.u32 $0xC280, v0;
	v53 =	vor.u32 $0xC300, v0;
	v31 =	vor.u32 $0x10, v0;
	[tilespmem:$0x1FFB0] =	vst v29  }
0x13: {  	v54 =	vor.u32 $0xC380, v0;
	v9 =	vor.u32 $0x190, v0;
	v57 =	vor.u32 $0x210, v0;
	[tilespmem:$0x1FFC0] =	vst v31  }
0x14: {  	v58 =	vor.u32 $0x290, v0;
	v61 =	vor.u32 $0x310, v0;
	v62 =	vor.u32 $0x390, v0;
	[tilespmem:$0x1FFD0] =	vst v9  }
0x15: {  	s6 =	srdreg.scid;
	v63 =	vor.u32 $0x4010, v0;
	v60 =	vor.u32 $0x4090, v0;
	v10 =	vor.u32 $0x4110, v0;
	[tilespmem:$0x1FFE0] =	vst v57  }
0x16: {  	s2 =	stileid.u32;
	s10 =	simm.s32 $0x4000;
	s6 =	sand.u32 $0x1, s6;
	v13 =	vor.u32 $0x4290, v0;
	v14 =	vor.u32 $0x4310, v0;
	v1 =	vor.u32 $0xC190, v0;
	[tilespmem:$0x1FFF0] =	vst v58  }
0x17: {  	s8 =	sshll.u32 s2, $0xC;
	v16 =	vor.u32 $0x4390, v0;
	v25 =	vor.u32 $0x8010, v0;
	s7 =	ssub.s32 $0x2, s6;
	s6 =	sshll.u32 s6, $0xB;
	[tilespmem:$0x1FEA0] =	vst v1;
	v1 =	vor.u32 $0xC210, v0  }
0x18: {  	s11 =	simm.s32 $0x80000;
	v19 =	vor.u32 $0x8090, v0;
	v24 =	vor.u32 $0x8110, v0;
	s9 =	sshrl.u32 s7, $0x1;
	s6 =	sor.u32 s6, s8;
	[tilespmem:$0x1FEB0] =	vst v1;
	v1 =	vor.u32 $0xC290, v0  }
0x19: {  	s12 =	simm.s32 $0x0;
	v23 =	vor.u32 $0x8190, v0;
	v28 =	vor.u32 $0x8210, v0;
	s7 =	ssub.s32 s7, s9;
	s8 =	sshrl.u32 s6, $0x3;
	[tilespmem:$0x1FEC0] =	vst v1;
	v1 =	vor.u32 $0xC310, v0  }
0x1a: {  	v30 =	vor.u32 $0x8290, v0;
	v32 =	vor.u32 $0x8310, v0;
	s5 =	sadd.s32 s5, s6;
	s9 =	simm.s32 $0x4800;
	s4 =	sadd.s32 s4, s8;
	[tilespmem:$0x1FED0] =	vst v1;
	v1 =	vor.u32 $0xC390, v0  }
0x1b: {  	v55 =	vor.u32 $0x8390, v0;
	v56 =	vor.u32 $0xC010, v0;
	v59 =	vor.u32 $0xC090, v0;
	s6 =	smax.u32 s7, $0x1;
	s7 =	simm.s32 $0x800;
	s8 =	simm.s32 $0x1;
	[tilespmem:$0x1FEE0] =	vst v1  }
.LBB2_1:
0x1c: {  	[tilespmem:s7], [sflag:$0x1] =	stream.linear.gather [hbm4b:s0+s3], $0x4000, $0x38;
	[tilespmem:$0x14800] =	vst v63  }
0x1d: {  	_ =	swait.ge [sflag:s8], $0x4000  }
0x1e: {  	[sflag:s8] =	ssyncset.done $0x0  }
0x1f: {  	[sflag:s8] =	ssyncadd.s32 $0xFFFFC000  }
0x20: {  	[tilespmem:s3], [sflag:$0x1] =	stream.linear.gather [hbm4b:s4+s3], $0x800, $0x38;
	[tilespmem:$0x14800] =	vst v63  }
0x21: {  	_ =	swait.ge [sflag:s8], $0x800  }
0x22: {  	s13 =	simm.s32 $0xFFFFFFF8;
	[sflag:s8] =	ssyncset.done $0x0  }
0x23: {  	s14 =	simm.s32 $0x40;
	s15 =	simm.s32 $0x0;
	[sflag:s8] =	ssyncadd.s32 $0xFFFFF800  }
.LBB2_2:
0x24: {  	v1 =	vld [tilespmem:s14+$0xFFFFFFC0];
	_ =	sdelay $0x4  }
0x25: {  	v2 =	vshll.u32 v1, $0x3  }
0x26: {  	v1 =	vand.u32 $0x7F, v1;
	v2 =	vand.u32 $0xFFFFFC00, v2  }
0x27: {  	v3 =	vmov s15;
	v2 =	vor.u32 v1, v2  }
0x28: {  	v1 =	vshrl.u32 v3, $0x7  }
0x29: {  	v1 =	vshll.u32 v1, $0xA  }
0x2a: {  	v1 =	vbroadcast v1, $0x0;
	_ =	sdelay $0x1  }
0x2b: {  	v4 =	vor.u32 v0, v1;
	v3 =	vld.idx.msk [tilespmem:v2+s7+$0x0], $0xffff  }
0x2c: {  	v5 =	vor.u32 $0x80, v2;
	_ =	sdelay $0x3  }
0x2d: {  	[tilespmem:v4+s9+$0x0] =	vst.idx.msk $0xffff, v3  }
0x2e: {  	v4 =	vor.u32 v6, v1;
	v3 =	vld.idx.msk [tilespmem:v5+s7+$0x0], $0xffff  }
0x2f: {  	v5 =	vor.u32 $0x100, v2;
	_ =	sdelay $0x3  }
0x30: {  	[tilespmem:v4+s9+$0x0] =	vst.idx.msk $0xffff, v3  }
0x31: {  	v4 =	vor.u32 v15, v1;
	v3 =	vld.idx.msk [tilespmem:v5+s7+$0x0], $0xffff  }
0x32: {  	v5 =	vor.u32 $0x180, v2;
	_ =	sdelay $0x3  }
0x33: {  	[tilespmem:v4+s9+$0x0] =	vst.idx.msk $0xffff, v3  }
0x34: {  	v4 =	vor.u32 v17, v1;
	v3 =	vld.idx.msk [tilespmem:v5+s7+$0x0], $0xffff  }
0x35: {  	v5 =	vor.u32 $0x200, v2;
	_ =	sdelay $0x3  }
0x36: {  	[tilespmem:v4+s9+$0x0] =	vst.idx.msk $0xffff, v3  }
0x37: {  	v4 =	vor.u32 v18, v1;
	v3 =	vld.idx.msk [tilespmem:v5+s7+$0x0], $0xffff  }
0x38: {  	v5 =	vor.u32 $0x280, v2;
	_ =	sdelay $0x3  }
0x39: {  	[tilespmem:v4+s9+$0x0] =	vst.idx.msk $0xffff, v3  }
0x3a: {  	v4 =	vor.u32 v20, v1;
	v3 =	vld.idx.msk [tilespmem:v5+s7+$0x0], $0xffff  }
0x3b: {  	v5 =	vor.u32 $0x300, v2;
	_ =	sdelay $0x3  }
0x3c: {  	[tilespmem:v4+s9+$0x0] =	vst.idx.msk $0xffff, v3  }
0x3d: {  	v4 =	vor.u32 v22, v1;
	v3 =	vld.idx.msk [tilespmem:v5+s7+$0x0], $0xffff  }
0x3e: {  	v5 =	vor.u32 $0x380, v2;
	_ =	sdelay $0x3  }
0x3f: {  	[tilespmem:v4+s9+$0x0] =	vst.idx.msk $0xffff, v3  }
0x40: {  	v4 =	vor.u32 v26, v1;
	v3 =	vld.idx.msk [tilespmem:v5+s7+$0x0], $0xffff  }
0x41: {  	v5 =	vadd.s32 $0x1000, v2;
	_ =	sdelay $0x3  }
0x42: {  	[tilespmem:v4+s9+$0x0] =	vst.idx.msk $0xffff, v3  }
0x43: {  	v4 =	vor.u32 v27, v1;
	v3 =	vld.idx.msk [tilespmem:v5+s7+$0x0], $0xffff  }
0x44: {  	v5 =	vadd.s32 $0x1080, v2;
	_ =	sdelay $0x3  }
0x45: {  	[tilespmem:v4+s9+$0x0] =	vst.idx.msk $0xffff, v3  }
0x46: {  	v4 =	vor.u32 v29, v1;
	v3 =	vld.idx.msk [tilespmem:v5+s7+$0x0], $0xffff;
	_ =	sdelay $0x4  }
0x47: {  	[tilespmem:v4+s9+$0x0] =	vst.idx.msk $0xffff, v3;
	v3 =	vld [tilespmem:s14+$0xFFFFFFD0];
	_ =	sdelay $0x4  }
0x48: {  	v4 =	vshll.u32 v3, $0x3  }
0x49: {  	v3 =	vand.u32 $0x7F, v3;
	v4 =	vand.u32 $0xFFFFFC00, v4  }
0x4a: {  	v3 =	vor.u32 v3, v4;
	_ =	sdelay $0x4  }
0x4b: {  	v5 =	vor.u32 v31, v1;
	v4 =	vld.idx.msk [tilespmem:v3+s7+$0x0], $0xffff  }
0x4c: {  	v6 =	vor.u32 $0x80, v3;
	_ =	sdelay $0x3  }
0x4d: {  	[tilespmem:v5+s9+$0x0] =	vst.idx.msk $0xffff, v4  }
0x4e: {  	v5 =	vor.u32 v7, v1;
	v4 =	vld.idx.msk [tilespmem:v6+s7+$0x0], $0xffff  }
0x4f: {  	v6 =	vor.u32 $0x100, v3;
	_ =	sdelay $0x3  }
0x50: {  	[tilespmem:v5+s9+$0x0] =	vst.idx.msk $0xffff, v4  }
0x51: {  	v5 =	vor.u32 v8, v1;
	v4 =	vld.idx.msk [tilespmem:v6+s7+$0x0], $0xffff  }
0x52: {  	v6 =	vor.u32 $0x180, v3;
	_ =	sdelay $0x3  }
0x53: {  	[tilespmem:v5+s9+$0x0] =	vst.idx.msk $0xffff, v4  }
0x54: {  	v5 =	vor.u32 v9, v1;
	v4 =	vld.idx.msk [tilespmem:v6+s7+$0x0], $0xffff  }
0x55: {  	v6 =	vor.u32 $0x200, v3;
	_ =	sdelay $0x3  }
0x56: {  	[tilespmem:v5+s9+$0x0] =	vst.idx.msk $0xffff, v4  }
0x57: {  	v5 =	vor.u32 v57, v1;
	v4 =	vld.idx.msk [tilespmem:v6+s7+$0x0], $0xffff  }
0x58: {  	v6 =	vor.u32 $0x280, v3;
	_ =	sdelay $0x3  }
0x59: {  	[tilespmem:v5+s9+$0x0] =	vst.idx.msk $0xffff, v4  }
0x5a: {  	v5 =	vor.u32 v58, v1;
	v4 =	vld.idx.msk [tilespmem:v6+s7+$0x0], $0xffff  }
0x5b: {  	v6 =	vor.u32 $0x300, v3;
	_ =	sdelay $0x3  }
0x5c: {  	[tilespmem:v5+s9+$0x0] =	vst.idx.msk $0xffff, v4  }
0x5d: {  	v5 =	vor.u32 v61, v1;
	v4 =	vld.idx.msk [tilespmem:v6+s7+$0x0], $0xffff  }
0x5e: {  	v6 =	vor.u32 $0x380, v3;
	_ =	sdelay $0x3  }
0x5f: {  	[tilespmem:v5+s9+$0x0] =	vst.idx.msk $0xffff, v4  }
0x60: {  	v5 =	vor.u32 v62, v1;
	v4 =	vld.idx.msk [tilespmem:v6+s7+$0x0], $0xffff  }
0x61: {  	v6 =	vadd.s32 $0x1000, v3;
	_ =	sdelay $0x3  }
0x62: {  	[tilespmem:v5+s9+$0x0] =	vst.idx.msk $0xffff, v4  }
0x63: {  	v5 =	vadd.s32 v63, v1;
	v4 =	vld.idx.msk [tilespmem:v6+s7+$0x0], $0xffff  }
0x64: {  	v6 =	vadd.s32 $0x1080, v3;
	_ =	sdelay $0x3  }
0x65: {  	[tilespmem:v5+s9+$0x0] =	vst.idx.msk $0xffff, v4  }
0x66: {  	v7 =	vadd.s32 $0x1100, v2;
	v5 =	vadd.s32 v60, v1;
	v4 =	vld.idx.msk [tilespmem:v6+s7+$0x0], $0xffff  }
0x67: {  	v6 =	vadd.s32 $0x1100, v3;
	_ =	sdelay $0x3  }
0x68: {  	v7 =	vld.idx.msk [tilespmem:v7+s7+$0x0], $0xffff;
	[tilespmem:v5+s9+$0x0] =	vst.idx.msk $0xffff, v4  }
0x69: {  	v5 =	vadd.s32 v10, v1;
	v4 =	vld.idx.msk [tilespmem:v6+s7+$0x0], $0xffff  }
0x6a: {  	v6 =	vadd.s32 $0x1180, v3;
	_ =	sdelay $0x3  }
0x6b: {  	[tilespmem:v5+s9+$0x0] =	vst.idx.msk $0xffff, v4  }
0x6c: {  	v5 =	vadd.s32 v11, v1;
	v4 =	vld.idx.msk [tilespmem:v6+s7+$0x0], $0xffff  }
0x6d: {  	v6 =	vadd.s32 $0x1200, v3;
	_ =	sdelay $0x3  }
0x6e: {  	[tilespmem:v5+s9+$0x0] =	vst.idx.msk $0xffff, v4  }
0x6f: {  	v5 =	vadd.s32 v12, v1;
	v4 =	vld.idx.msk [tilespmem:v6+s7+$0x0], $0xffff  }
0x70: {  	v6 =	vadd.s32 $0x1280, v3  }
0x71: {  	v8 =	vor.u32 v33, v1  }
0x72: {  	v9 =	vadd.s32 $0x1180, v2;
	_ =	sdelay $0x1  }
0x73: {  	[tilespmem:v5+s9+$0x0] =	vst.idx.msk $0xffff, v4  }
0x74: {  	v5 =	vadd.s32 v13, v1;
	v4 =	vld.idx.msk [tilespmem:v6+s7+$0x0], $0xffff  }
0x75: {  	[tilespmem:v8+s9+$0x0] =	vst.idx.msk $0xffff, v7;
	v6 =	vadd.s32 $0x1300, v3  }
0x76: {  	v8 =	vor.u32 v34, v1;
	v7 =	vld.idx.msk [tilespmem:v9+s7+$0x0], $0xffff  }
0x77: {  	v9 =	vadd.s32 $0x1200, v2;
	_ =	sdelay $0x1  }
0x78: {  	[tilespmem:v5+s9+$0x0] =	vst.idx.msk $0xffff, v4  }
0x79: {  	v5 =	vadd.s32 v14, v1;
	v4 =	vld.idx.msk [tilespmem:v6+s7+$0x0], $0xffff  }
0x7a: {  	[tilespmem:v8+s9+$0x0] =	vst.idx.msk $0xffff, v7;
	v6 =	vadd.s32 $0x1380, v3  }
0x7b: {  	v8 =	vor.u32 v35, v1;
	v7 =	vld.idx.msk [tilespmem:v9+s7+$0x0], $0xffff  }
0x7c: {  	v9 =	vadd.s32 $0x1280, v2;
	_ =	sdelay $0x1  }
0x7d: {  	[tilespmem:v5+s9+$0x0] =	vst.idx.msk $0xffff, v4  }
0x7e: {  	v5 =	vadd.s32 v16, v1;
	v4 =	vld.idx.msk [tilespmem:v6+s7+$0x0], $0xffff  }
0x7f: {  	[tilespmem:v8+s9+$0x0] =	vst.idx.msk $0xffff, v7;
	v6 =	vadd.s32 $0x2000, v3  }
0x80: {  	v8 =	vor.u32 v36, v1;
	v7 =	vld.idx.msk [tilespmem:v9+s7+$0x0], $0xffff  }
0x81: {  	v9 =	vadd.s32 $0x1300, v2;
	_ =	sdelay $0x1  }
0x82: {  	[tilespmem:v5+s9+$0x0] =	vst.idx.msk $0xffff, v4  }
0x83: {  	v5 =	vadd.s32 v25, v1;
	v4 =	vld.idx.msk [tilespmem:v6+s7+$0x0], $0xffff  }
0x84: {  	[tilespmem:v8+s9+$0x0] =	vst.idx.msk $0xffff, v7;
	v6 =	vadd.s32 $0x2080, v3  }
0x85: {  	v8 =	vor.u32 v37, v1;
	v7 =	vld.idx.msk [tilespmem:v9+s7+$0x0], $0xffff  }
0x86: {  	v9 =	vadd.s32 $0x1380, v2;
	_ =	sdelay $0x1  }
0x87: {  	[tilespmem:v5+s9+$0x0] =	vst.idx.msk $0xffff, v4  }
0x88: {  	v5 =	vadd.s32 v19, v1;
	v4 =	vld.idx.msk [tilespmem:v6+s7+$0x0], $0xffff  }
0x89: {  	[tilespmem:v8+s9+$0x0] =	vst.idx.msk $0xffff, v7;
	v6 =	vadd.s32 $0x2100, v3  }
0x8a: {  	v8 =	vor.u32 v38, v1;
	v7 =	vld.idx.msk [tilespmem:v9+s7+$0x0], $0xffff  }
0x8b: {  	v9 =	vadd.s32 $0x2000, v2;
	_ =	sdelay $0x1  }
0x8c: {  	[tilespmem:v5+s9+$0x0] =	vst.idx.msk $0xffff, v4  }
0x8d: {  	v5 =	vadd.s32 v24, v1;
	v4 =	vld.idx.msk [tilespmem:v6+s7+$0x0], $0xffff  }
0x8e: {  	[tilespmem:v8+s9+$0x0] =	vst.idx.msk $0xffff, v7;
	v6 =	vadd.s32 $0x2180, v3  }
0x8f: {  	v8 =	vor.u32 v39, v1;
	v7 =	vld.idx.msk [tilespmem:v9+s7+$0x0], $0xffff  }
0x90: {  	v9 =	vadd.s32 $0x2080, v2;
	_ =	sdelay $0x1  }
0x91: {  	[tilespmem:v5+s9+$0x0] =	vst.idx.msk $0xffff, v4  }
0x92: {  	v5 =	vadd.s32 v23, v1;
	v4 =	vld.idx.msk [tilespmem:v6+s7+$0x0], $0xffff  }
0x93: {  	[tilespmem:v8+s9+$0x0] =	vst.idx.msk $0xffff, v7;
	v6 =	vadd.s32 $0x2200, v3  }
0x94: {  	v8 =	vor.u32 v40, v1;
	v7 =	vld.idx.msk [tilespmem:v9+s7+$0x0], $0xffff  }
0x95: {  	v9 =	vadd.s32 $0x2100, v2;
	_ =	sdelay $0x1  }
0x96: {  	[tilespmem:v5+s9+$0x0] =	vst.idx.msk $0xffff, v4  }
0x97: {  	v5 =	vadd.s32 v28, v1;
	v4 =	vld.idx.msk [tilespmem:v6+s7+$0x0], $0xffff  }
0x98: {  	[tilespmem:v8+s9+$0x0] =	vst.idx.msk $0xffff, v7;
	v6 =	vadd.s32 $0x2280, v3  }
0x99: {  	v8 =	vor.u32 v41, v1;
	v7 =	vld.idx.msk [tilespmem:v9+s7+$0x0], $0xffff  }
0x9a: {  	v9 =	vadd.s32 $0x2180, v2;
	_ =	sdelay $0x1  }
0x9b: {  	[tilespmem:v5+s9+$0x0] =	vst.idx.msk $0xffff, v4  }
0x9c: {  	v5 =	vadd.s32 v30, v1;
	v4 =	vld.idx.msk [tilespmem:v6+s7+$0x0], $0xffff  }
0x9d: {  	[tilespmem:v8+s9+$0x0] =	vst.idx.msk $0xffff, v7;
	v6 =	vadd.s32 $0x2300, v3  }
0x9e: {  	v8 =	vor.u32 v42, v1;
	v7 =	vld.idx.msk [tilespmem:v9+s7+$0x0], $0xffff  }
0x9f: {  	v9 =	vadd.s32 $0x2200, v2;
	_ =	sdelay $0x1  }
0xa0: {  	[tilespmem:v5+s9+$0x0] =	vst.idx.msk $0xffff, v4  }
0xa1: {  	v5 =	vadd.s32 v32, v1;
	v4 =	vld.idx.msk [tilespmem:v6+s7+$0x0], $0xffff  }
0xa2: {  	[tilespmem:v8+s9+$0x0] =	vst.idx.msk $0xffff, v7;
	v6 =	vadd.s32 $0x2380, v3  }
0xa3: {  	v8 =	vor.u32 v43, v1;
	v7 =	vld.idx.msk [tilespmem:v9+s7+$0x0], $0xffff  }
0xa4: {  	v9 =	vadd.s32 $0x2280, v2;
	_ =	sdelay $0x1  }
0xa5: {  	[tilespmem:v5+s9+$0x0] =	vst.idx.msk $0xffff, v4  }
0xa6: {  	v5 =	vadd.s32 v55, v1;
	v4 =	vld.idx.msk [tilespmem:v6+s7+$0x0], $0xffff  }
0xa7: {  	[tilespmem:v8+s9+$0x0] =	vst.idx.msk $0xffff, v7;
	v6 =	vadd.s32 $0x3000, v3  }
0xa8: {  	v8 =	vor.u32 v44, v1;
	v7 =	vld.idx.msk [tilespmem:v9+s7+$0x0], $0xffff  }
0xa9: {  	v9 =	vadd.s32 $0x2300, v2;
	_ =	sdelay $0x1  }
0xaa: {  	[tilespmem:v5+s9+$0x0] =	vst.idx.msk $0xffff, v4  }
0xab: {  	v5 =	vadd.s32 v56, v1;
	v4 =	vld.idx.msk [tilespmem:v6+s7+$0x0], $0xffff  }
0xac: {  	[tilespmem:v8+s9+$0x0] =	vst.idx.msk $0xffff, v7;
	v6 =	vadd.s32 $0x3080, v3  }
0xad: {  	v8 =	vor.u32 v45, v1;
	v7 =	vld.idx.msk [tilespmem:v9+s7+$0x0], $0xffff  }
0xae: {  	v9 =	vadd.s32 $0x2380, v2;
	_ =	sdelay $0x1  }
0xaf: {  	[tilespmem:v5+s9+$0x0] =	vst.idx.msk $0xffff, v4  }
0xb0: {  	v5 =	vadd.s32 v59, v1;
	v4 =	vld.idx.msk [tilespmem:v6+s7+$0x0], $0xffff  }
0xb1: {  	[tilespmem:v8+s9+$0x0] =	vst.idx.msk $0xffff, v7  }
0xb2: {  	v8 =	vor.u32 v46, v1;
	v7 =	vld.idx.msk [tilespmem:v9+s7+$0x0], $0xffff  }
0xb3: {  	v9 =	vadd.s32 $0x3000, v2;
	_ =	sdelay $0x1  }
0xb4: {  	v6 =	vadd.s32 $0x3100, v3;
	[tilespmem:v5+s9+$0x0] =	vst.idx.msk $0xffff, v4;
	v5 =	vld [tilespmem:$0x1FE90];
	_ =	sdelay $0x1  }
0xb5: {  	[tilespmem:v8+s9+$0x0] =	vst.idx.msk $0xffff, v7  }
0xb6: {  	v8 =	vor.u32 v47, v1;
	v7 =	vld.idx.msk [tilespmem:v9+s7+$0x0], $0xffff  }
0xb7: {  	v9 =	vadd.s32 $0x3080, v2  }
0xb8: {  	v4 =	vld.idx.msk [tilespmem:v6+s7+$0x0], $0xffff;
	v5 =	vadd.s32 v5, v1;
	_ =	sdelay $0x2  }
0xb9: {  	[tilespmem:v8+s9+$0x0] =	vst.idx.msk $0xffff, v7  }
0xba: {  	v7 =	vld.idx.msk [tilespmem:v9+s7+$0x0], $0xffff  }
0xbb: {  	v8 =	vor.u32 v48, v1;
	v6 =	vadd.s32 $0x3180, v3;
	[tilespmem:v5+s9+$0x0] =	vst.idx.msk $0xffff, v4;
	v5 =	vld [tilespmem:$0x1FEA0]  }
0xbc: {  	v9 =	vadd.s32 $0x3100, v2;
	_ =	sdelay $0x3  }
0xbd: {  	[tilespmem:v8+s9+$0x0] =	vst.idx.msk $0xffff, v7;
	v4 =	vld.idx.msk [tilespmem:v6+s7+$0x0], $0xffff;
	v5 =	vadd.s32 v5, v1  }
0xbe: {  	v8 =	vor.u32 v49, v1;
	v7 =	vld.idx.msk [tilespmem:v9+s7+$0x0], $0xffff  }
0xbf: {  	v9 =	vadd.s32 $0x3180, v2;
	_ =	sdelay $0x2  }
0xc0: {  	v6 =	vadd.s32 $0x3200, v3;
	[tilespmem:v5+s9+$0x0] =	vst.idx.msk $0xffff, v4;
	v5 =	vld [tilespmem:$0x1FEB0]  }
0xc1: {  	[tilespmem:v8+s9+$0x0] =	vst.idx.msk $0xffff, v7  }
0xc2: {  	v8 =	vor.u32 v50, v1;
	v7 =	vld.idx.msk [tilespmem:v9+s7+$0x0], $0xffff  }
0xc3: {  	v9 =	vadd.s32 $0x3200, v2;
	_ =	sdelay $0x1  }
0xc4: {  	v4 =	vld.idx.msk [tilespmem:v6+s7+$0x0], $0xffff;
	v5 =	vadd.s32 v5, v1;
	_ =	sdelay $0x1  }
0xc5: {  	[tilespmem:v8+s9+$0x0] =	vst.idx.msk $0xffff, v7  }
0xc6: {  	v8 =	vor.u32 v51, v1;
	v7 =	vld.idx.msk [tilespmem:v9+s7+$0x0], $0xffff  }
0xc7: {  	v9 =	vadd.s32 $0x3280, v2  }
0xc8: {  	v6 =	vadd.s32 $0x3280, v3;
	[tilespmem:v5+s9+$0x0] =	vst.idx.msk $0xffff, v4;
	v5 =	vld [tilespmem:$0x1FEC0];
	_ =	sdelay $0x2  }
0xc9: {  	[tilespmem:v8+s9+$0x0] =	vst.idx.msk $0xffff, v7  }
0xca: {  	v8 =	vor.u32 v52, v1;
	v7 =	vld.idx.msk [tilespmem:v9+s7+$0x0], $0xffff  }
0xcb: {  	v4 =	vld.idx.msk [tilespmem:v6+s7+$0x0], $0xffff;
	v5 =	vadd.s32 v5, v1  }
0xcc: {  	v57 =	vmov v35;
	v35 =	vmov v10;
	v10 =	vld [tilespmem:s14+$0xFFFFFFE0];
	v9 =	vadd.s32 $0x3300, v2  }
0xcd: {  	v12 =	vadd.s32 $0x3380, v2;
	v2 =	vld [tilespmem:s14+$0x10]  }
0xce: {  	v31 =	vmov v14;
	v14 =	vadd.s32 $0x3380, v3;
	v6 =	vadd.s32 $0x3300, v3;
	v3 =	vld [tilespmem:$0x1FEE0]  }
0xcf: {  	[tilespmem:v8+s9+$0x0] =	vst.idx.msk $0xffff, v7;
	v7 =	vld [tilespmem:s14+$0xFFFFFFF0]  }
0xd0: {  	[tilespmem:v5+s9+$0x0] =	vst.idx.msk $0xffff, v4;
	v5 =	vld [tilespmem:$0x1FED0]  }
0xd1: {  	v21 =	vor.u32 $0x60, v0;
	v8 =	vld.idx.msk [tilespmem:v9+s7+$0x0], $0xffff  }
0xd2: {  	v21 =	vor.u32 v21, v1;
	v18 =	vor.u32 $0x20, v0;
	v9 =	vld [tilespmem:s14+$0x0]  }
0xd3: {  	v27 =	vmovc v16;
	v11 =	vor.u32 v53, v1;
	v16 =	vld [tilespmem:s14+$0x20];
	v15 =	vadd.s32 v3, v1;
	v3 =	vand.u32 $0x7F, v10  }
0xd4: {  	v58 =	vmovc v55;
	v4 =	vld.idx.msk [tilespmem:v6+s7+$0x0], $0xffff;
	v6 =	vshll.u32 v10, $0x3;
	v10 =	vshll.u32 v7, $0x3;
	v7 =	vand.u32 $0x7F, v7  }
0xd5: {  	v17 =	vld [tilespmem:s14+$0x30];
	v55 =	vmovc v56;
	v56 =	vmovc v34;
	v6 =	vand.u32 $0xFFFFFC00, v6;
	v10 =	vand.u32 $0xFFFFFC00, v10;
	v5 =	vadd.s32 v5, v1  }
0xd6: {  	v34 =	vmovc v13;
	v13 =	vor.u32 v54, v1;
	v6 =	vor.u32 v3, v6;
	v3 =	vor.u32 v7, v10  }
0xd7: {  	v7 =	vand.u32 $0x7F, v9;
	v9 =	vshll.u32 v9, $0x3;
	v10 =	vshll.u32 v2, $0x3  }
0xd8: {  	v2 =	vand.u32 $0x7F, v2;
	v9 =	vand.u32 $0xFFFFFC00, v9;
	v10 =	vand.u32 $0xFFFFFC00, v10  }
0xd9: {  	[tilespmem:v11+s9+$0x0] =	vst.idx.msk $0xffff, v8;
	v8 =	vshll.u32 v16, $0x3;
	v7 =	vor.u32 v7, v9;
	v2 =	vor.u32 v2, v10  }
0xda: {  	v9 =	vld.idx.msk [tilespmem:v12+s7+$0x0], $0xffff;
	[tilespmem:v5+s9+$0x0] =	vst.idx.msk $0xffff, v4;
	v4 =	vand.u32 $0x7F, v16;
	v5 =	vand.u32 $0xFFFFFC00, v8;
	v8 =	vshll.u32 v17, $0x3  }
0xdb: {  	v10 =	vld.idx.msk [tilespmem:v14+s7+$0x0], $0xffff;
	v5 =	vor.u32 v4, v5;
	v4 =	vand.u32 $0x7F, v17;
	v8 =	vand.u32 $0xFFFFFC00, v8  }
0xdc: {  	v12 =	vor.u32 v18, v1;
	v11 =	vld.idx.msk [tilespmem:v6+s7+$0x0], $0xffff;
	v14 =	vor.u32 $0x30, v0;
	v4 =	vor.u32 v4, v8  }
0xdd: {  	v16 =	vld.idx.msk [tilespmem:v3+s7+$0x0], $0xffff;
	v17 =	vor.u32 $0x40, v0;
	v8 =	vor.u32 $0x80, v6;
	v14 =	vor.u32 v14, v1  }
0xde: {  	v20 =	vor.u32 $0x50, v0;
	v26 =	vmovc v19;
	v18 =	vor.u32 $0x80, v3;
	v19 =	vld.idx.msk [tilespmem:v7+s7+$0x0], $0xffff;
	v17 =	vor.u32 v17, v1  }
0xdf: {  	v20 =	vor.u32 v20, v1;
	v22 =	vor.u32 $0x70, v0;
	[tilespmem:v13+s9+$0x0] =	vst.idx.msk $0xffff, v9;
	v9 =	vor.u32 $0x80, v7;
	v13 =	vld.idx.msk [tilespmem:v2+s7+$0x0], $0xffff  }
0xe0: {  	v22 =	vor.u32 v22, v1;
	[tilespmem:v15+s9+$0x0] =	vst.idx.msk $0xffff, v10;
	v10 =	vor.u32 $0x80, v2;
	v15 =	vld.idx.msk [tilespmem:v5+s7+$0x0], $0xffff  }
0xe1: {  	v29 =	vmovc v25;
	v25 =	vmov v23;
	[tilespmem:v12+s9+$0x0] =	vst.idx.msk $0xffff, v11;
	v11 =	vor.u32 $0xA0, v0;
	v12 =	vor.u32 $0x80, v5;
	v23 =	vld.idx.msk [tilespmem:v4+s7+$0x0], $0xffff  }
0xe2: {  	v11 =	vor.u32 v11, v1;
	v8 =	vld.idx.msk [tilespmem:v8+s7+$0x0], $0xffff;
	[tilespmem:v14+s9+$0x0] =	vst.idx.msk $0xffff, v16;
	v14 =	vor.u32 $0xB0, v0;
	v16 =	vor.u32 $0x80, v4  }
0xe3: {  	[tilespmem:v17+s9+$0x0] =	vst.idx.msk $0xffff, v19;
	v17 =	vor.u32 $0x100, v6;
	v19 =	vor.u32 $0xC0, v0;
	v18 =	vld.idx.msk [tilespmem:v18+s7+$0x0], $0xffff;
	v14 =	vor.u32 v14, v1  }
0xe4: {  	[tilespmem:v20+s9+$0x0] =	vst.idx.msk $0xffff, v13;
	v13 =	vor.u32 $0x100, v3;
	v20 =	vor.u32 $0xD0, v0;
	v9 =	vld.idx.msk [tilespmem:v9+s7+$0x0], $0xffff;
	v19 =	vor.u32 v19, v1  }
0xe5: {  	v20 =	vor.u32 v20, v1;
	[tilespmem:v21+s9+$0x0] =	vst.idx.msk $0xffff, v15;
	v15 =	vor.u32 $0x100, v7;
	v10 =	vld.idx.msk [tilespmem:v10+s7+$0x0], $0xffff;
	v21 =	vor.u32 $0xE0, v0  }
0xe6: {  	[tilespmem:v22+s9+$0x0] =	vst.idx.msk $0xffff, v23;
	v22 =	vor.u32 $0x100, v2;
	v12 =	vld.idx.msk [tilespmem:v12+s7+$0x0], $0xffff;
	v21 =	vor.u32 v21, v1;
	v23 =	vor.u32 $0xF0, v0  }
0xe7: {  	[tilespmem:v11+s9+$0x0] =	vst.idx.msk $0xffff, v8;
	v8 =	vor.u32 $0x120, v0;
	v11 =	vor.u32 $0x100, v5;
	v16 =	vld.idx.msk [tilespmem:v16+s7+$0x0], $0xffff;
	v23 =	vor.u32 v23, v1  }
0xe8: {  	v17 =	vld.idx.msk [tilespmem:v17+s7+$0x0], $0xffff;
	v8 =	vor.u32 v8, v1;
	[tilespmem:v14+s9+$0x0] =	vst.idx.msk $0xffff, v18;
	v14 =	vor.u32 $0x130, v0;
	v18 =	vor.u32 $0x100, v4  }
0xe9: {  	[tilespmem:v19+s9+$0x0] =	vst.idx.msk $0xffff, v9;
	v9 =	vor.u32 $0x180, v6;
	v19 =	vor.u32 $0x140, v0;
	v13 =	vld.idx.msk [tilespmem:v13+s7+$0x0], $0xffff;
	v14 =	vor.u32 v14, v1  }
0xea: {  	v19 =	vor.u32 v19, v1;
	[tilespmem:v20+s9+$0x0] =	vst.idx.msk $0xffff, v10;
	v10 =	vor.u32 $0x180, v3;
	v15 =	vld.idx.msk [tilespmem:v15+s7+$0x0], $0xffff;
	v20 =	vor.u32 $0x150, v0  }
0xeb: {  	[tilespmem:v21+s9+$0x0] =	vst.idx.msk $0xffff, v12;
	v12 =	vor.u32 $0x180, v7;
	v21 =	vld.idx.msk [tilespmem:v22+s7+$0x0], $0xffff;
	v20 =	vor.u32 v20, v1;
	v22 =	vor.u32 $0x160, v0  }
0xec: {  	[tilespmem:v23+s9+$0x0] =	vst.idx.msk $0xffff, v16;
	v16 =	vor.u32 $0x180, v2;
	v11 =	vld.idx.msk [tilespmem:v11+s7+$0x0], $0xffff;
	v22 =	vor.u32 v22, v1;
	v23 =	vor.u32 $0x170, v0  }
0xed: {  	[tilespmem:v8+s9+$0x0] =	vst.idx.msk $0xffff, v17;
	v8 =	vor.u32 $0x1A0, v0;
	v17 =	vor.u32 $0x180, v5;
	v18 =	vld.idx.msk [tilespmem:v18+s7+$0x0], $0xffff;
	v23 =	vor.u32 v23, v1  }
0xee: {  	v9 =	vld.idx.msk [tilespmem:v9+s7+$0x0], $0xffff;
	v8 =	vor.u32 v8, v1;
	[tilespmem:v14+s9+$0x0] =	vst.idx.msk $0xffff, v13;
	v13 =	vor.u32 $0x1B0, v0;
	v14 =	vor.u32 $0x180, v4  }
0xef: {  	v13 =	vor.u32 v13, v1;
	[tilespmem:v19+s9+$0x0] =	vst.idx.msk $0xffff, v15;
	v15 =	vor.u32 $0x200, v6;
	v10 =	vld.idx.msk [tilespmem:v10+s7+$0x0], $0xffff;
	v19 =	vor.u32 $0x1C0, v0  }
0xf0: {  	[tilespmem:v20+s9+$0x0] =	vst.idx.msk $0xffff, v21;
	v20 =	vor.u32 $0x200, v3;
	v12 =	vld.idx.msk [tilespmem:v12+s7+$0x0], $0xffff;
	v19 =	vor.u32 v19, v1;
	v21 =	vor.u32 $0x1D0, v0  }
0xf1: {  	[tilespmem:v22+s9+$0x0] =	vst.idx.msk $0xffff, v11;
	v11 =	vor.u32 $0x200, v7;
	v16 =	vld.idx.msk [tilespmem:v16+s7+$0x0], $0xffff;
	v21 =	vor.u32 v21, v1;
	v22 =	vor.u32 $0x1E0, v0  }
0xf2: {  	[tilespmem:v23+s9+$0x0] =	vst.idx.msk $0xffff, v18;
	v18 =	vor.u32 $0x200, v2;
	v17 =	vld.idx.msk [tilespmem:v17+s7+$0x0], $0xffff;
	v22 =	vor.u32 v22, v1;
	v23 =	vor.u32 $0x1F0, v0  }
0xf3: {  	[tilespmem:v8+s9+$0x0] =	vst.idx.msk $0xffff, v9;
	v8 =	vor.u32 $0x220, v0;
	v9 =	vor.u32 $0x200, v5;
	v14 =	vld.idx.msk [tilespmem:v14+s7+$0x0], $0xffff;
	v23 =	vor.u32 v23, v1  }
0xf4: {  	v8 =	vor.u32 v8, v1;
	v15 =	vld.idx.msk [tilespmem:v15+s7+$0x0], $0xffff;
	[tilespmem:v13+s9+$0x0] =	vst.idx.msk $0xffff, v10;
	v10 =	vor.u32 $0x230, v0;
	v13 =	vor.u32 $0x200, v4  }
0xf5: {  	[tilespmem:v19+s9+$0x0] =	vst.idx.msk $0xffff, v12;
	v12 =	vor.u32 $0x280, v6;
	v19 =	vld.idx.msk [tilespmem:v20+s7+$0x0], $0xffff;
	v10 =	vor.u32 v10, v1;
	v20 =	vor.u32 $0x240, v0  }
0xf6: {  	[tilespmem:v21+s9+$0x0] =	vst.idx.msk $0xffff, v16;
	v16 =	vor.u32 $0x280, v3;
	v11 =	vld.idx.msk [tilespmem:v11+s7+$0x0], $0xffff;
	v20 =	vor.u32 v20, v1;
	v21 =	vor.u32 $0x250, v0  }
0xf7: {  	[tilespmem:v22+s9+$0x0] =	vst.idx.msk $0xffff, v17;
	v17 =	vor.u32 $0x280, v7;
	v18 =	vld.idx.msk [tilespmem:v18+s7+$0x0], $0xffff;
	v21 =	vor.u32 v21, v1;
	v22 =	vor.u32 $0x260, v0  }
0xf8: {  	[tilespmem:v23+s9+$0x0] =	vst.idx.msk $0xffff, v14;
	v14 =	vor.u32 $0x280, v2;
	v9 =	vld.idx.msk [tilespmem:v9+s7+$0x0], $0xffff;
	v22 =	vor.u32 v22, v1;
	v23 =	vor.u32 $0x270, v0  }
0xf9: {  	[tilespmem:v8+s9+$0x0] =	vst.idx.msk $0xffff, v15;
	v8 =	vor.u32 $0x2A0, v0;
	v15 =	vor.u32 $0x280, v5;
	v13 =	vld.idx.msk [tilespmem:v13+s7+$0x0], $0xffff;
	v23 =	vor.u32 v23, v1  }
0xfa: {  	v12 =	vld.idx.msk [tilespmem:v12+s7+$0x0], $0xffff;
	v8 =	vor.u32 v8, v1;
	[tilespmem:v10+s9+$0x0] =	vst.idx.msk $0xffff, v19;
	v10 =	vor.u32 $0x2B0, v0;
	v19 =	vor.u32 $0x280, v4  }
0xfb: {  	[tilespmem:v20+s9+$0x0] =	vst.idx.msk $0xffff, v11;
	v11 =	vor.u32 $0x300, v6;
	v16 =	vld.idx.msk [tilespmem:v16+s7+$0x0], $0xffff;
	v10 =	vor.u32 v10, v1;
	v20 =	vor.u32 $0x2C0, v0  }
0xfc: {  	[tilespmem:v21+s9+$0x0] =	vst.idx.msk $0xffff, v18;
	v18 =	vor.u32 $0x300, v3;
	v17 =	vld.idx.msk [tilespmem:v17+s7+$0x0], $0xffff;
	v20 =	vor.u32 v20, v1;
	v21 =	vor.u32 $0x2D0, v0  }
0xfd: {  	[tilespmem:v22+s9+$0x0] =	vst.idx.msk $0xffff, v9;
	v9 =	vor.u32 $0x300, v7;
	v14 =	vld.idx.msk [tilespmem:v14+s7+$0x0], $0xffff;
	v21 =	vor.u32 v21, v1;
	v22 =	vor.u32 $0x2E0, v0  }
0xfe: {  	[tilespmem:v23+s9+$0x0] =	vst.idx.msk $0xffff, v13;
	v13 =	vor.u32 $0x300, v2;
	v15 =	vld.idx.msk [tilespmem:v15+s7+$0x0], $0xffff;
	v22 =	vor.u32 v22, v1;
	v23 =	vor.u32 $0x2F0, v0  }
0xff: {  	[tilespmem:v8+s9+$0x0] =	vst.idx.msk $0xffff, v12;
	v8 =	vor.u32 $0x320, v0;
	v12 =	vor.u32 $0x300, v5;
	v19 =	vld.idx.msk [tilespmem:v19+s7+$0x0], $0xffff;
	v23 =	vor.u32 v23, v1  }
0x100: {  	v11 =	vld.idx.msk [tilespmem:v11+s7+$0x0], $0xffff;
	v8 =	vor.u32 v8, v1;
	[tilespmem:v10+s9+$0x0] =	vst.idx.msk $0xffff, v16;
	v10 =	vor.u32 $0x330, v0;
	v16 =	vor.u32 $0x300, v4  }
0x101: {  	[tilespmem:v20+s9+$0x0] =	vst.idx.msk $0xffff, v17;
	v17 =	vor.u32 $0x380, v6;
	v18 =	vld.idx.msk [tilespmem:v18+s7+$0x0], $0xffff;
	v10 =	vor.u32 v10, v1;
	v20 =	vor.u32 $0x340, v0  }
0x102: {  	[tilespmem:v21+s9+$0x0] =	vst.idx.msk $0xffff, v14;
	v14 =	vor.u32 $0x380, v3;
	v9 =	vld.idx.msk [tilespmem:v9+s7+$0x0], $0xffff;
	v20 =	vor.u32 v20, v1;
	v21 =	vor.u32 $0x350, v0  }
0x103: {  	[tilespmem:v22+s9+$0x0] =	vst.idx.msk $0xffff, v15;
	v15 =	vor.u32 $0x380, v7;
	v13 =	vld.idx.msk [tilespmem:v13+s7+$0x0], $0xffff;
	v21 =	vor.u32 v21, v1;
	v22 =	vor.u32 $0x360, v0  }
0x104: {  	[tilespmem:v23+s9+$0x0] =	vst.idx.msk $0xffff, v19;
	v19 =	vor.u32 $0x380, v2;
	v12 =	vld.idx.msk [tilespmem:v12+s7+$0x0], $0xffff;
	v22 =	vor.u32 v22, v1;
	v23 =	vor.u32 $0x370, v0  }
0x105: {  	[tilespmem:v8+s9+$0x0] =	vst.idx.msk $0xffff, v11;
	v8 =	vor.u32 $0x3A0, v0;
	v11 =	vor.u32 $0x380, v5;
	v16 =	vld.idx.msk [tilespmem:v16+s7+$0x0], $0xffff;
	v23 =	vor.u32 v23, v1  }
0x106: {  	v17 =	vld.idx.msk [tilespmem:v17+s7+$0x0], $0xffff;
	v8 =	vor.u32 v8, v1;
	[tilespmem:v10+s9+$0x0] =	vst.idx.msk $0xffff, v18;
	v10 =	vor.u32 $0x3B0, v0;
	v18 =	vor.u32 $0x380, v4  }
0x107: {  	[tilespmem:v20+s9+$0x0] =	vst.idx.msk $0xffff, v9;
	v9 =	vadd.s32 $0x1000, v6;
	v14 =	vld.idx.msk [tilespmem:v14+s7+$0x0], $0xffff;
	v10 =	vor.u32 v10, v1;
	v20 =	vor.u32 $0x3C0, v0  }
0x108: {  	[tilespmem:v21+s9+$0x0] =	vst.idx.msk $0xffff, v13;
	v13 =	vadd.s32 $0x1000, v3;
	v15 =	vld.idx.msk [tilespmem:v15+s7+$0x0], $0xffff;
	v20 =	vor.u32 v20, v1;
	v21 =	vor.u32 $0x3D0, v0  }
0x109: {  	[tilespmem:v22+s9+$0x0] =	vst.idx.msk $0xffff, v12;
	v12 =	vadd.s32 $0x1000, v7;
	v19 =	vld.idx.msk [tilespmem:v19+s7+$0x0], $0xffff;
	v21 =	vor.u32 v21, v1;
	v22 =	vor.u32 $0x3E0, v0  }
0x10a: {  	[tilespmem:v23+s9+$0x0] =	vst.idx.msk $0xffff, v16;
	v16 =	vadd.s32 $0x1000, v2;
	v11 =	vld.idx.msk [tilespmem:v11+s7+$0x0], $0xffff;
	v22 =	vor.u32 v22, v1;
	v23 =	vor.u32 $0x3F0, v0  }
0x10b: {  	[tilespmem:v8+s9+$0x0] =	vst.idx.msk $0xffff, v17;
	v8 =	vor.u32 $0x4020, v0;
	v17 =	vadd.s32 $0x1000, v5;
	v18 =	vld.idx.msk [tilespmem:v18+s7+$0x0], $0xffff;
	v23 =	vor.u32 v23, v1  }
0x10c: {  	v9 =	vld.idx.msk [tilespmem:v9+s7+$0x0], $0xffff;
	v8 =	vadd.s32 v8, v1;
	[tilespmem:v10+s9+$0x0] =	vst.idx.msk $0xffff, v14;
	v10 =	vor.u32 $0x4030, v0;
	v14 =	vadd.s32 $0x1000, v4  }
0x10d: {  	[tilespmem:v20+s9+$0x0] =	vst.idx.msk $0xffff, v15;
	v15 =	vadd.s32 $0x1080, v6;
	v13 =	vld.idx.msk [tilespmem:v13+s7+$0x0], $0xffff;
	v10 =	vadd.s32 v10, v1;
	v20 =	vor.u32 $0x4040, v0  }
0x10e: {  	[tilespmem:v21+s9+$0x0] =	vst.idx.msk $0xffff, v19;
	v19 =	vadd.s32 $0x1080, v3;
	v12 =	vld.idx.msk [tilespmem:v12+s7+$0x0], $0xffff;
	v20 =	vadd.s32 v20, v1;
	v21 =	vor.u32 $0x4050, v0  }
0x10f: {  	[tilespmem:v22+s9+$0x0] =	vst.idx.msk $0xffff, v11;
	v11 =	vadd.s32 $0x1080, v7;
	v16 =	vld.idx.msk [tilespmem:v16+s7+$0x0], $0xffff;
	v21 =	vadd.s32 v21, v1;
	v22 =	vor.u32 $0x4060, v0  }
0x110: {  	[tilespmem:v23+s9+$0x0] =	vst.idx.msk $0xffff, v18;
	v18 =	vadd.s32 $0x1080, v2;
	v17 =	vld.idx.msk [tilespmem:v17+s7+$0x0], $0xffff;
	v22 =	vadd.s32 v22, v1;
	v23 =	vor.u32 $0x4070, v0  }
0x111: {  	[tilespmem:v8+s9+$0x0] =	vst.idx.msk $0xffff, v9;
	v8 =	vor.u32 $0x40A0, v0;
	v9 =	vadd.s32 $0x1080, v5;
	v14 =	vld.idx.msk [tilespmem:v14+s7+$0x0], $0xffff;
	v23 =	vadd.s32 v23, v1  }
0x112: {  	v15 =	vld.idx.msk [tilespmem:v15+s7+$0x0], $0xffff;
	v8 =	vadd.s32 v8, v1;
	[tilespmem:v10+s9+$0x0] =	vst.idx.msk $0xffff, v13;
	v10 =	vor.u32 $0x40B0, v0;
	v13 =	vadd.s32 $0x1080, v4  }
0x113: {  	[tilespmem:v20+s9+$0x0] =	vst.idx.msk $0xffff, v12;
	v12 =	vadd.s32 $0x1100, v6;
	v19 =	vld.idx.msk [tilespmem:v19+s7+$0x0], $0xffff;
	v10 =	vadd.s32 v10, v1;
	v20 =	vor.u32 $0x40C0, v0  }
0x114: {  	[tilespmem:v21+s9+$0x0] =	vst.idx.msk $0xffff, v16;
	v16 =	vadd.s32 $0x1100, v3;
	v11 =	vld.idx.msk [tilespmem:v11+s7+$0x0], $0xffff;
	v20 =	vadd.s32 v20, v1;
	v21 =	vor.u32 $0x40D0, v0  }
0x115: {  	[tilespmem:v22+s9+$0x0] =	vst.idx.msk $0xffff, v17;
	v17 =	vadd.s32 $0x1100, v7;
	v18 =	vld.idx.msk [tilespmem:v18+s7+$0x0], $0xffff;
	v21 =	vadd.s32 v21, v1;
	v22 =	vor.u32 $0x40E0, v0  }
0x116: {  	[tilespmem:v23+s9+$0x0] =	vst.idx.msk $0xffff, v14;
	v14 =	vadd.s32 $0x1100, v2;
	v9 =	vld.idx.msk [tilespmem:v9+s7+$0x0], $0xffff;
	v22 =	vadd.s32 v22, v1;
	v23 =	vor.u32 $0x40F0, v0  }
0x117: {  	[tilespmem:v8+s9+$0x0] =	vst.idx.msk $0xffff, v15;
	v8 =	vor.u32 $0x4120, v0;
	v15 =	vadd.s32 $0x1100, v5;
	v13 =	vld.idx.msk [tilespmem:v13+s7+$0x0], $0xffff;
	v23 =	vadd.s32 v23, v1  }
0x118: {  	v12 =	vld.idx.msk [tilespmem:v12+s7+$0x0], $0xffff;
	v8 =	vadd.s32 v8, v1;
	[tilespmem:v10+s9+$0x0] =	vst.idx.msk $0xffff, v19;
	v10 =	vor.u32 $0x4130, v0;
	v19 =	vadd.s32 $0x1100, v4  }
0x119: {  	[tilespmem:v20+s9+$0x0] =	vst.idx.msk $0xffff, v11;
	v11 =	vadd.s32 $0x1180, v6;
	v16 =	vld.idx.msk [tilespmem:v16+s7+$0x0], $0xffff;
	v10 =	vadd.s32 v10, v1;
	v20 =	vor.u32 $0x4140, v0  }
0x11a: {  	[tilespmem:v21+s9+$0x0] =	vst.idx.msk $0xffff, v18;
	v18 =	vadd.s32 $0x1180, v3;
	v17 =	vld.idx.msk [tilespmem:v17+s7+$0x0], $0xffff;
	v20 =	vadd.s32 v20, v1;
	v21 =	vor.u32 $0x4150, v0  }
0x11b: {  	[tilespmem:v22+s9+$0x0] =	vst.idx.msk $0xffff, v9;
	v9 =	vadd.s32 $0x1180, v7;
	v14 =	vld.idx.msk [tilespmem:v14+s7+$0x0], $0xffff;
	v21 =	vadd.s32 v21, v1;
	v22 =	vor.u32 $0x4160, v0  }
0x11c: {  	[tilespmem:v23+s9+$0x0] =	vst.idx.msk $0xffff, v13;
	v13 =	vadd.s32 $0x1180, v2;
	v15 =	vld.idx.msk [tilespmem:v15+s7+$0x0], $0xffff;
	v22 =	vadd.s32 v22, v1;
	v23 =	vor.u32 $0x4170, v0  }
0x11d: {  	[tilespmem:v8+s9+$0x0] =	vst.idx.msk $0xffff, v12;
	v8 =	vor.u32 $0x41A0, v0;
	v12 =	vadd.s32 $0x1180, v5;
	v19 =	vld.idx.msk [tilespmem:v19+s7+$0x0], $0xffff;
	v23 =	vadd.s32 v23, v1  }
0x11e: {  	v11 =	vld.idx.msk [tilespmem:v11+s7+$0x0], $0xffff;
	v8 =	vadd.s32 v8, v1;
	[tilespmem:v10+s9+$0x0] =	vst.idx.msk $0xffff, v16;
	v10 =	vor.u32 $0x41B0, v0;
	v16 =	vadd.s32 $0x1180, v4  }
0x11f: {  	[tilespmem:v20+s9+$0x0] =	vst.idx.msk $0xffff, v17;
	v17 =	vadd.s32 $0x1200, v6;
	v18 =	vld.idx.msk [tilespmem:v18+s7+$0x0], $0xffff;
	v10 =	vadd.s32 v10, v1;
	v20 =	vor.u32 $0x41C0, v0  }
0x120: {  	[tilespmem:v21+s9+$0x0] =	vst.idx.msk $0xffff, v14;
	v14 =	vadd.s32 $0x1200, v3;
	v9 =	vld.idx.msk [tilespmem:v9+s7+$0x0], $0xffff;
	v20 =	vadd.s32 v20, v1;
	v21 =	vor.u32 $0x41D0, v0  }
0x121: {  	[tilespmem:v22+s9+$0x0] =	vst.idx.msk $0xffff, v15;
	v15 =	vadd.s32 $0x1200, v7;
	v13 =	vld.idx.msk [tilespmem:v13+s7+$0x0], $0xffff;
	v21 =	vadd.s32 v21, v1;
	v22 =	vor.u32 $0x41E0, v0  }
0x122: {  	[tilespmem:v23+s9+$0x0] =	vst.idx.msk $0xffff, v19;
	v19 =	vadd.s32 $0x1200, v2;
	v12 =	vld.idx.msk [tilespmem:v12+s7+$0x0], $0xffff;
	v22 =	vadd.s32 v22, v1;
	v23 =	vor.u32 $0x41F0, v0  }
0x123: {  	[tilespmem:v8+s9+$0x0] =	vst.idx.msk $0xffff, v11;
	v8 =	vor.u32 $0x4220, v0;
	v11 =	vadd.s32 $0x1200, v5;
	v16 =	vld.idx.msk [tilespmem:v16+s7+$0x0], $0xffff;
	v23 =	vadd.s32 v23, v1  }
0x124: {  	v17 =	vld.idx.msk [tilespmem:v17+s7+$0x0], $0xffff;
	v8 =	vadd.s32 v8, v1;
	[tilespmem:v10+s9+$0x0] =	vst.idx.msk $0xffff, v18;
	v10 =	vor.u32 $0x4230, v0;
	v18 =	vadd.s32 $0x1200, v4  }
0x125: {  	[tilespmem:v20+s9+$0x0] =	vst.idx.msk $0xffff, v9;
	v9 =	vadd.s32 $0x1280, v6;
	v14 =	vld.idx.msk [tilespmem:v14+s7+$0x0], $0xffff;
	v10 =	vadd.s32 v10, v1;
	v20 =	vor.u32 $0x4240, v0  }
0x126: {  	[tilespmem:v21+s9+$0x0] =	vst.idx.msk $0xffff, v13;
	v13 =	vadd.s32 $0x1280, v3;
	v15 =	vld.idx.msk [tilespmem:v15+s7+$0x0], $0xffff;
	v20 =	vadd.s32 v20, v1;
	v21 =	vor.u32 $0x4250, v0  }
0x127: {  	[tilespmem:v22+s9+$0x0] =	vst.idx.msk $0xffff, v12;
	v12 =	vadd.s32 $0x1280, v7;
	v19 =	vld.idx.msk [tilespmem:v19+s7+$0x0], $0xffff;
	v21 =	vadd.s32 v21, v1;
	v22 =	vor.u32 $0x4260, v0  }
0x128: {  	[tilespmem:v23+s9+$0x0] =	vst.idx.msk $0xffff, v16;
	v16 =	vadd.s32 $0x1280, v2;
	v11 =	vld.idx.msk [tilespmem:v11+s7+$0x0], $0xffff;
	v22 =	vadd.s32 v22, v1;
	v23 =	vor.u32 $0x4270, v0  }
0x129: {  	[tilespmem:v8+s9+$0x0] =	vst.idx.msk $0xffff, v17;
	v8 =	vor.u32 $0x42A0, v0;
	v17 =	vadd.s32 $0x1280, v5;
	v18 =	vld.idx.msk [tilespmem:v18+s7+$0x0], $0xffff;
	v23 =	vadd.s32 v23, v1  }
0x12a: {  	v9 =	vld.idx.msk [tilespmem:v9+s7+$0x0], $0xffff;
	v8 =	vadd.s32 v8, v1;
	[tilespmem:v10+s9+$0x0] =	vst.idx.msk $0xffff, v14;
	v10 =	vor.u32 $0x42B0, v0;
	v14 =	vadd.s32 $0x1280, v4  }
0x12b: {  	[tilespmem:v20+s9+$0x0] =	vst.idx.msk $0xffff, v15;
	v15 =	vadd.s32 $0x1300, v6;
	v13 =	vld.idx.msk [tilespmem:v13+s7+$0x0], $0xffff;
	v10 =	vadd.s32 v10, v1;
	v20 =	vor.u32 $0x42C0, v0  }
0x12c: {  	[tilespmem:v21+s9+$0x0] =	vst.idx.msk $0xffff, v19;
	v19 =	vadd.s32 $0x1300, v3;
	v12 =	vld.idx.msk [tilespmem:v12+s7+$0x0], $0xffff;
	v20 =	vadd.s32 v20, v1;
	v21 =	vor.u32 $0x42D0, v0  }
0x12d: {  	[tilespmem:v22+s9+$0x0] =	vst.idx.msk $0xffff, v11;
	v11 =	vadd.s32 $0x1300, v7;
	v16 =	vld.idx.msk [tilespmem:v16+s7+$0x0], $0xffff;
	v21 =	vadd.s32 v21, v1;
	v22 =	vor.u32 $0x42E0, v0  }
0x12e: {  	[tilespmem:v23+s9+$0x0] =	vst.idx.msk $0xffff, v18;
	v18 =	vadd.s32 $0x1300, v2;
	v17 =	vld.idx.msk [tilespmem:v17+s7+$0x0], $0xffff;
	v22 =	vadd.s32 v22, v1;
	v23 =	vor.u32 $0x42F0, v0  }
0x12f: {  	[tilespmem:v8+s9+$0x0] =	vst.idx.msk $0xffff, v9;
	v8 =	vor.u32 $0x4320, v0;
	v9 =	vadd.s32 $0x1300, v5;
	v14 =	vld.idx.msk [tilespmem:v14+s7+$0x0], $0xffff;
	v23 =	vadd.s32 v23, v1  }
0x130: {  	v15 =	vld.idx.msk [tilespmem:v15+s7+$0x0], $0xffff;
	v8 =	vadd.s32 v8, v1;
	[tilespmem:v10+s9+$0x0] =	vst.idx.msk $0xffff, v13;
	v10 =	vor.u32 $0x4330, v0;
	v13 =	vadd.s32 $0x1300, v4  }
0x131: {  	[tilespmem:v20+s9+$0x0] =	vst.idx.msk $0xffff, v12;
	v12 =	vadd.s32 $0x1380, v6;
	v19 =	vld.idx.msk [tilespmem:v19+s7+$0x0], $0xffff;
	v10 =	vadd.s32 v10, v1;
	v20 =	vor.u32 $0x4340, v0  }
0x132: {  	[tilespmem:v21+s9+$0x0] =	vst.idx.msk $0xffff, v16;
	v16 =	vadd.s32 $0x1380, v3;
	v11 =	vld.idx.msk [tilespmem:v11+s7+$0x0], $0xffff;
	v20 =	vadd.s32 v20, v1;
	v21 =	vor.u32 $0x4350, v0  }
0x133: {  	[tilespmem:v22+s9+$0x0] =	vst.idx.msk $0xffff, v17;
	v17 =	vadd.s32 $0x1380, v7;
	v18 =	vld.idx.msk [tilespmem:v18+s7+$0x0], $0xffff;
	v21 =	vadd.s32 v21, v1;
	v22 =	vor.u32 $0x4360, v0  }
0x134: {  	[tilespmem:v23+s9+$0x0] =	vst.idx.msk $0xffff, v14;
	v14 =	vadd.s32 $0x1380, v2;
	v9 =	vld.idx.msk [tilespmem:v9+s7+$0x0], $0xffff;
	v22 =	vadd.s32 v22, v1;
	v23 =	vor.u32 $0x4370, v0  }
0x135: {  	[tilespmem:v8+s9+$0x0] =	vst.idx.msk $0xffff, v15;
	v8 =	vor.u32 $0x43A0, v0;
	v15 =	vadd.s32 $0x1380, v5;
	v13 =	vld.idx.msk [tilespmem:v13+s7+$0x0], $0xffff;
	v23 =	vadd.s32 v23, v1  }
0x136: {  	v12 =	vld.idx.msk [tilespmem:v12+s7+$0x0], $0xffff;
	v8 =	vadd.s32 v8, v1;
	[tilespmem:v10+s9+$0x0] =	vst.idx.msk $0xffff, v19;
	v10 =	vor.u32 $0x43B0, v0;
	v19 =	vadd.s32 $0x1380, v4  }
0x137: {  	[tilespmem:v20+s9+$0x0] =	vst.idx.msk $0xffff, v11;
	v11 =	vadd.s32 $0x2000, v6;
	v16 =	vld.idx.msk [tilespmem:v16+s7+$0x0], $0xffff;
	v10 =	vadd.s32 v10, v1;
	v20 =	vor.u32 $0x43C0, v0  }
0x138: {  	[tilespmem:v21+s9+$0x0] =	vst.idx.msk $0xffff, v18;
	v18 =	vadd.s32 $0x2000, v3;
	v17 =	vld.idx.msk [tilespmem:v17+s7+$0x0], $0xffff;
	v20 =	vadd.s32 v20, v1;
	v21 =	vor.u32 $0x43D0, v0  }
0x139: {  	[tilespmem:v22+s9+$0x0] =	vst.idx.msk $0xffff, v9;
	v9 =	vadd.s32 $0x2000, v7;
	v14 =	vld.idx.msk [tilespmem:v14+s7+$0x0], $0xffff;
	v21 =	vadd.s32 v21, v1;
	v22 =	vor.u32 $0x43E0, v0  }
0x13a: {  	[tilespmem:v23+s9+$0x0] =	vst.idx.msk $0xffff, v13;
	v13 =	vadd.s32 $0x2000, v2;
	v15 =	vld.idx.msk [tilespmem:v15+s7+$0x0], $0xffff;
	v22 =	vadd.s32 v22, v1;
	v23 =	vor.u32 $0x43F0, v0  }
0x13b: {  	[tilespmem:v8+s9+$0x0] =	vst.idx.msk $0xffff, v12;
	v8 =	vor.u32 $0x8020, v0;
	v12 =	vadd.s32 $0x2000, v5;
	v19 =	vld.idx.msk [tilespmem:v19+s7+$0x0], $0xffff;
	v23 =	vadd.s32 v23, v1  }
0x13c: {  	v11 =	vld.idx.msk [tilespmem:v11+s7+$0x0], $0xffff;
	v8 =	vadd.s32 v8, v1;
	[tilespmem:v10+s9+$0x0] =	vst.idx.msk $0xffff, v16;
	v10 =	vor.u32 $0x8030, v0;
	v16 =	vadd.s32 $0x2000, v4  }
0x13d: {  	[tilespmem:v20+s9+$0x0] =	vst.idx.msk $0xffff, v17;
	v17 =	vadd.s32 $0x2080, v6;
	v18 =	vld.idx.msk [tilespmem:v18+s7+$0x0], $0xffff;
	v10 =	vadd.s32 v10, v1;
	v20 =	vor.u32 $0x8040, v0  }
0x13e: {  	[tilespmem:v21+s9+$0x0] =	vst.idx.msk $0xffff, v14;
	v14 =	vadd.s32 $0x2080, v3;
	v9 =	vld.idx.msk [tilespmem:v9+s7+$0x0], $0xffff;
	v20 =	vadd.s32 v20, v1;
	v21 =	vor.u32 $0x8050, v0  }
0x13f: {  	[tilespmem:v22+s9+$0x0] =	vst.idx.msk $0xffff, v15;
	v15 =	vadd.s32 $0x2080, v7;
	v13 =	vld.idx.msk [tilespmem:v13+s7+$0x0], $0xffff;
	v21 =	vadd.s32 v21, v1;
	v22 =	vor.u32 $0x8060, v0  }
0x140: {  	[tilespmem:v23+s9+$0x0] =	vst.idx.msk $0xffff, v19;
	v19 =	vadd.s32 $0x2080, v2;
	v12 =	vld.idx.msk [tilespmem:v12+s7+$0x0], $0xffff;
	v22 =	vadd.s32 v22, v1;
	v23 =	vor.u32 $0x8070, v0  }
0x141: {  	[tilespmem:v8+s9+$0x0] =	vst.idx.msk $0xffff, v11;
	v8 =	vor.u32 $0x80A0, v0;
	v11 =	vadd.s32 $0x2080, v5;
	v16 =	vld.idx.msk [tilespmem:v16+s7+$0x0], $0xffff;
	v23 =	vadd.s32 v23, v1  }
0x142: {  	v17 =	vld.idx.msk [tilespmem:v17+s7+$0x0], $0xffff;
	v8 =	vadd.s32 v8, v1;
	[tilespmem:v10+s9+$0x0] =	vst.idx.msk $0xffff, v18;
	v10 =	vor.u32 $0x80B0, v0;
	v18 =	vadd.s32 $0x2080, v4  }
0x143: {  	[tilespmem:v20+s9+$0x0] =	vst.idx.msk $0xffff, v9;
	v9 =	vadd.s32 $0x2100, v6;
	v14 =	vld.idx.msk [tilespmem:v14+s7+$0x0], $0xffff;
	v10 =	vadd.s32 v10, v1;
	v20 =	vor.u32 $0x80C0, v0  }
0x144: {  	[tilespmem:v21+s9+$0x0] =	vst.idx.msk $0xffff, v13;
	v13 =	vadd.s32 $0x2100, v3;
	v15 =	vld.idx.msk [tilespmem:v15+s7+$0x0], $0xffff;
	v20 =	vadd.s32 v20, v1;
	v21 =	vor.u32 $0x80D0, v0  }
0x145: {  	[tilespmem:v22+s9+$0x0] =	vst.idx.msk $0xffff, v12;
	v12 =	vadd.s32 $0x2100, v7;
	v19 =	vld.idx.msk [tilespmem:v19+s7+$0x0], $0xffff;
	v21 =	vadd.s32 v21, v1;
	v22 =	vor.u32 $0x80E0, v0  }
0x146: {  	[tilespmem:v23+s9+$0x0] =	vst.idx.msk $0xffff, v16;
	v16 =	vadd.s32 $0x2100, v2;
	v11 =	vld.idx.msk [tilespmem:v11+s7+$0x0], $0xffff;
	v22 =	vadd.s32 v22, v1;
	v23 =	vor.u32 $0x80F0, v0  }
0x147: {  	[tilespmem:v8+s9+$0x0] =	vst.idx.msk $0xffff, v17;
	v8 =	vor.u32 $0x8120, v0;
	v17 =	vadd.s32 $0x2100, v5;
	v18 =	vld.idx.msk [tilespmem:v18+s7+$0x0], $0xffff;
	v23 =	vadd.s32 v23, v1  }
0x148: {  	v9 =	vld.idx.msk [tilespmem:v9+s7+$0x0], $0xffff;
	v8 =	vadd.s32 v8, v1;
	[tilespmem:v10+s9+$0x0] =	vst.idx.msk $0xffff, v14;
	v10 =	vor.u32 $0x8130, v0;
	v14 =	vadd.s32 $0x2100, v4  }
0x149: {  	[tilespmem:v20+s9+$0x0] =	vst.idx.msk $0xffff, v15;
	v15 =	vadd.s32 $0x2180, v6;
	v13 =	vld.idx.msk [tilespmem:v13+s7+$0x0], $0xffff;
	v10 =	vadd.s32 v10, v1;
	v20 =	vor.u32 $0x8140, v0  }
0x14a: {  	[tilespmem:v21+s9+$0x0] =	vst.idx.msk $0xffff, v19;
	v19 =	vadd.s32 $0x2180, v3;
	v12 =	vld.idx.msk [tilespmem:v12+s7+$0x0], $0xffff;
	v20 =	vadd.s32 v20, v1;
	v21 =	vor.u32 $0x8150, v0  }
0x14b: {  	[tilespmem:v22+s9+$0x0] =	vst.idx.msk $0xffff, v11;
	v11 =	vadd.s32 $0x2180, v7;
	v16 =	vld.idx.msk [tilespmem:v16+s7+$0x0], $0xffff;
	v21 =	vadd.s32 v21, v1;
	v22 =	vor.u32 $0x8160, v0  }
0x14c: {  	[tilespmem:v23+s9+$0x0] =	vst.idx.msk $0xffff, v18;
	v18 =	vadd.s32 $0x2180, v2;
	v17 =	vld.idx.msk [tilespmem:v17+s7+$0x0], $0xffff;
	v22 =	vadd.s32 v22, v1;
	v23 =	vor.u32 $0x8170, v0  }
0x14d: {  	[tilespmem:v8+s9+$0x0] =	vst.idx.msk $0xffff, v9;
	v8 =	vor.u32 $0x81A0, v0;
	v9 =	vadd.s32 $0x2180, v5;
	v14 =	vld.idx.msk [tilespmem:v14+s7+$0x0], $0xffff;
	v23 =	vadd.s32 v23, v1  }
0x14e: {  	v15 =	vld.idx.msk [tilespmem:v15+s7+$0x0], $0xffff;
	v8 =	vadd.s32 v8, v1;
	[tilespmem:v10+s9+$0x0] =	vst.idx.msk $0xffff, v13;
	v10 =	vor.u32 $0x81B0, v0;
	v13 =	vadd.s32 $0x2180, v4  }
0x14f: {  	[tilespmem:v20+s9+$0x0] =	vst.idx.msk $0xffff, v12;
	v12 =	vadd.s32 $0x2200, v6;
	v19 =	vld.idx.msk [tilespmem:v19+s7+$0x0], $0xffff;
	v10 =	vadd.s32 v10, v1;
	v20 =	vor.u32 $0x81C0, v0  }
0x150: {  	[tilespmem:v21+s9+$0x0] =	vst.idx.msk $0xffff, v16;
	v16 =	vadd.s32 $0x2200, v3;
	v11 =	vld.idx.msk [tilespmem:v11+s7+$0x0], $0xffff;
	v20 =	vadd.s32 v20, v1;
	v21 =	vor.u32 $0x81D0, v0  }
0x151: {  	[tilespmem:v22+s9+$0x0] =	vst.idx.msk $0xffff, v17;
	v17 =	vadd.s32 $0x2200, v7;
	v18 =	vld.idx.msk [tilespmem:v18+s7+$0x0], $0xffff;
	v21 =	vadd.s32 v21, v1;
	v22 =	vor.u32 $0x81E0, v0  }
0x152: {  	[tilespmem:v23+s9+$0x0] =	vst.idx.msk $0xffff, v14;
	v14 =	vadd.s32 $0x2200, v2;
	v9 =	vld.idx.msk [tilespmem:v9+s7+$0x0], $0xffff;
	v22 =	vadd.s32 v22, v1;
	v23 =	vor.u32 $0x81F0, v0  }
0x153: {  	[tilespmem:v8+s9+$0x0] =	vst.idx.msk $0xffff, v15;
	v8 =	vor.u32 $0x8220, v0;
	v15 =	vadd.s32 $0x2200, v5;
	v13 =	vld.idx.msk [tilespmem:v13+s7+$0x0], $0xffff;
	v23 =	vadd.s32 v23, v1  }
0x154: {  	v12 =	vld.idx.msk [tilespmem:v12+s7+$0x0], $0xffff;
	v8 =	vadd.s32 v8, v1;
	[tilespmem:v10+s9+$0x0] =	vst.idx.msk $0xffff, v19;
	v10 =	vor.u32 $0x8230, v0;
	v19 =	vadd.s32 $0x2200, v4  }
0x155: {  	[tilespmem:v20+s9+$0x0] =	vst.idx.msk $0xffff, v11;
	v11 =	vadd.s32 $0x2280, v6;
	v16 =	vld.idx.msk [tilespmem:v16+s7+$0x0], $0xffff;
	v10 =	vadd.s32 v10, v1;
	v20 =	vor.u32 $0x8240, v0  }
0x156: {  	[tilespmem:v21+s9+$0x0] =	vst.idx.msk $0xffff, v18;
	v18 =	vadd.s32 $0x2280, v3;
	v17 =	vld.idx.msk [tilespmem:v17+s7+$0x0], $0xffff;
	v20 =	vadd.s32 v20, v1;
	v21 =	vor.u32 $0x8250, v0  }
0x157: {  	[tilespmem:v22+s9+$0x0] =	vst.idx.msk $0xffff, v9;
	v9 =	vadd.s32 $0x2280, v7;
	v14 =	vld.idx.msk [tilespmem:v14+s7+$0x0], $0xffff;
	v21 =	vadd.s32 v21, v1;
	v22 =	vor.u32 $0x8260, v0  }
0x158: {  	[tilespmem:v23+s9+$0x0] =	vst.idx.msk $0xffff, v13;
	v13 =	vadd.s32 $0x2280, v2;
	v15 =	vld.idx.msk [tilespmem:v15+s7+$0x0], $0xffff;
	v22 =	vadd.s32 v22, v1;
	v23 =	vor.u32 $0x8270, v0  }
0x159: {  	[tilespmem:v8+s9+$0x0] =	vst.idx.msk $0xffff, v12;
	v8 =	vor.u32 $0x82A0, v0;
	v12 =	vadd.s32 $0x2280, v5;
	v19 =	vld.idx.msk [tilespmem:v19+s7+$0x0], $0xffff;
	v23 =	vadd.s32 v23, v1  }
0x15a: {  	v11 =	vld.idx.msk [tilespmem:v11+s7+$0x0], $0xffff;
	v8 =	vadd.s32 v8, v1;
	[tilespmem:v10+s9+$0x0] =	vst.idx.msk $0xffff, v16;
	v10 =	vor.u32 $0x82B0, v0;
	v16 =	vadd.s32 $0x2280, v4  }
0x15b: {  	[tilespmem:v20+s9+$0x0] =	vst.idx.msk $0xffff, v17;
	v17 =	vadd.s32 $0x2300, v6;
	v18 =	vld.idx.msk [tilespmem:v18+s7+$0x0], $0xffff;
	v10 =	vadd.s32 v10, v1;
	v20 =	vor.u32 $0x82C0, v0  }
0x15c: {  	[tilespmem:v21+s9+$0x0] =	vst.idx.msk $0xffff, v14;
	v14 =	vadd.s32 $0x2300, v3;
	v9 =	vld.idx.msk [tilespmem:v9+s7+$0x0], $0xffff;
	v20 =	vadd.s32 v20, v1;
	v21 =	vor.u32 $0x82D0, v0  }
0x15d: {  	[tilespmem:v22+s9+$0x0] =	vst.idx.msk $0xffff, v15;
	v15 =	vadd.s32 $0x2300, v7;
	v13 =	vld.idx.msk [tilespmem:v13+s7+$0x0], $0xffff;
	v21 =	vadd.s32 v21, v1;
	v22 =	vor.u32 $0x82E0, v0  }
0x15e: {  	[tilespmem:v23+s9+$0x0] =	vst.idx.msk $0xffff, v19;
	v19 =	vadd.s32 $0x2300, v2;
	v12 =	vld.idx.msk [tilespmem:v12+s7+$0x0], $0xffff;
	v22 =	vadd.s32 v22, v1;
	v23 =	vor.u32 $0x82F0, v0  }
0x15f: {  	[tilespmem:v8+s9+$0x0] =	vst.idx.msk $0xffff, v11;
	v8 =	vor.u32 $0x8320, v0;
	v11 =	vadd.s32 $0x2300, v5;
	v16 =	vld.idx.msk [tilespmem:v16+s7+$0x0], $0xffff;
	v23 =	vadd.s32 v23, v1  }
0x160: {  	v17 =	vld.idx.msk [tilespmem:v17+s7+$0x0], $0xffff;
	v8 =	vadd.s32 v8, v1;
	[tilespmem:v10+s9+$0x0] =	vst.idx.msk $0xffff, v18;
	v10 =	vor.u32 $0x8330, v0;
	v18 =	vadd.s32 $0x2300, v4  }
0x161: {  	[tilespmem:v20+s9+$0x0] =	vst.idx.msk $0xffff, v9;
	v9 =	vadd.s32 $0x2380, v6;
	v14 =	vld.idx.msk [tilespmem:v14+s7+$0x0], $0xffff;
	v10 =	vadd.s32 v10, v1;
	v20 =	vor.u32 $0x8340, v0  }
0x162: {  	[tilespmem:v21+s9+$0x0] =	vst.idx.msk $0xffff, v13;
	v13 =	vadd.s32 $0x2380, v3;
	v15 =	vld.idx.msk [tilespmem:v15+s7+$0x0], $0xffff;
	v20 =	vadd.s32 v20, v1;
	v21 =	vor.u32 $0x8350, v0  }
0x163: {  	[tilespmem:v22+s9+$0x0] =	vst.idx.msk $0xffff, v12;
	v12 =	vadd.s32 $0x2380, v7;
	v19 =	vld.idx.msk [tilespmem:v19+s7+$0x0], $0xffff;
	v21 =	vadd.s32 v21, v1;
	v22 =	vor.u32 $0x8360, v0  }
0x164: {  	[tilespmem:v23+s9+$0x0] =	vst.idx.msk $0xffff, v16;
	v16 =	vadd.s32 $0x2380, v2;
	v11 =	vld.idx.msk [tilespmem:v11+s7+$0x0], $0xffff;
	v22 =	vadd.s32 v22, v1;
	v23 =	vor.u32 $0x8370, v0  }
0x165: {  	[tilespmem:v8+s9+$0x0] =	vst.idx.msk $0xffff, v17;
	v8 =	vor.u32 $0x83A0, v0;
	v17 =	vadd.s32 $0x2380, v5;
	v18 =	vld.idx.msk [tilespmem:v18+s7+$0x0], $0xffff;
	v23 =	vadd.s32 v23, v1  }
0x166: {  	v9 =	vld.idx.msk [tilespmem:v9+s7+$0x0], $0xffff;
	v8 =	vadd.s32 v8, v1;
	[tilespmem:v10+s9+$0x0] =	vst.idx.msk $0xffff, v14;
	v10 =	vor.u32 $0x83B0, v0;
	v14 =	vadd.s32 $0x2380, v4  }
0x167: {  	[tilespmem:v20+s9+$0x0] =	vst.idx.msk $0xffff, v15;
	v15 =	vadd.s32 $0x3000, v6;
	v13 =	vld.idx.msk [tilespmem:v13+s7+$0x0], $0xffff;
	v10 =	vadd.s32 v10, v1;
	v20 =	vor.u32 $0x83C0, v0  }
0x168: {  	[tilespmem:v21+s9+$0x0] =	vst.idx.msk $0xffff, v19;
	v19 =	vadd.s32 $0x3000, v3;
	v12 =	vld.idx.msk [tilespmem:v12+s7+$0x0], $0xffff;
	v20 =	vadd.s32 v20, v1;
	v21 =	vor.u32 $0x83D0, v0  }
0x169: {  	[tilespmem:v22+s9+$0x0] =	vst.idx.msk $0xffff, v11;
	v11 =	vadd.s32 $0x3000, v7;
	v16 =	vld.idx.msk [tilespmem:v16+s7+$0x0], $0xffff;
	v21 =	vadd.s32 v21, v1;
	v22 =	vor.u32 $0x83E0, v0  }
0x16a: {  	[tilespmem:v23+s9+$0x0] =	vst.idx.msk $0xffff, v18;
	v18 =	vadd.s32 $0x3000, v2;
	v17 =	vld.idx.msk [tilespmem:v17+s7+$0x0], $0xffff;
	v22 =	vadd.s32 v22, v1;
	v23 =	vor.u32 $0x83F0, v0  }
0x16b: {  	[tilespmem:v8+s9+$0x0] =	vst.idx.msk $0xffff, v9;
	v8 =	vor.u32 $0xC020, v0;
	v9 =	vadd.s32 $0x3000, v5;
	v14 =	vld.idx.msk [tilespmem:v14+s7+$0x0], $0xffff;
	v23 =	vadd.s32 v23, v1  }
0x16c: {  	v15 =	vld.idx.msk [tilespmem:v15+s7+$0x0], $0xffff;
	v8 =	vadd.s32 v8, v1;
	[tilespmem:v10+s9+$0x0] =	vst.idx.msk $0xffff, v13;
	v10 =	vor.u32 $0xC030, v0;
	v13 =	vadd.s32 $0x3000, v4  }
0x16d: {  	[tilespmem:v20+s9+$0x0] =	vst.idx.msk $0xffff, v12;
	v12 =	vadd.s32 $0x3080, v6;
	v19 =	vld.idx.msk [tilespmem:v19+s7+$0x0], $0xffff;
	v10 =	vadd.s32 v10, v1;
	v20 =	vor.u32 $0xC040, v0  }
0x16e: {  	[tilespmem:v21+s9+$0x0] =	vst.idx.msk $0xffff, v16;
	v16 =	vadd.s32 $0x3080, v3;
	v11 =	vld.idx.msk [tilespmem:v11+s7+$0x0], $0xffff;
	v20 =	vadd.s32 v20, v1;
	v21 =	vor.u32 $0xC050, v0  }
0x16f: {  	[tilespmem:v22+s9+$0x0] =	vst.idx.msk $0xffff, v17;
	v17 =	vadd.s32 $0x3080, v7;
	v18 =	vld.idx.msk [tilespmem:v18+s7+$0x0], $0xffff;
	v21 =	vadd.s32 v21, v1;
	v22 =	vor.u32 $0xC060, v0  }
0x170: {  	[tilespmem:v23+s9+$0x0] =	vst.idx.msk $0xffff, v14;
	v14 =	vadd.s32 $0x3080, v2;
	v9 =	vld.idx.msk [tilespmem:v9+s7+$0x0], $0xffff;
	v22 =	vadd.s32 v22, v1;
	v23 =	vor.u32 $0xC070, v0  }
0x171: {  	[tilespmem:v8+s9+$0x0] =	vst.idx.msk $0xffff, v15;
	v8 =	vor.u32 $0xC0A0, v0;
	v15 =	vadd.s32 $0x3080, v5;
	v13 =	vld.idx.msk [tilespmem:v13+s7+$0x0], $0xffff;
	v23 =	vadd.s32 v23, v1  }
0x172: {  	v12 =	vld.idx.msk [tilespmem:v12+s7+$0x0], $0xffff;
	v8 =	vadd.s32 v8, v1;
	[tilespmem:v10+s9+$0x0] =	vst.idx.msk $0xffff, v19;
	v10 =	vor.u32 $0xC0B0, v0;
	v19 =	vadd.s32 $0x3080, v4  }
0x173: {  	[tilespmem:v20+s9+$0x0] =	vst.idx.msk $0xffff, v11;
	v11 =	vadd.s32 $0x3100, v6;
	v16 =	vld.idx.msk [tilespmem:v16+s7+$0x0], $0xffff;
	v10 =	vadd.s32 v10, v1;
	v20 =	vor.u32 $0xC0C0, v0  }
0x174: {  	[tilespmem:v21+s9+$0x0] =	vst.idx.msk $0xffff, v18;
	v18 =	vadd.s32 $0x3100, v3;
	v17 =	vld.idx.msk [tilespmem:v17+s7+$0x0], $0xffff;
	v20 =	vadd.s32 v20, v1;
	v21 =	vor.u32 $0xC0D0, v0  }
0x175: {  	[tilespmem:v22+s9+$0x0] =	vst.idx.msk $0xffff, v9;
	v9 =	vadd.s32 $0x3100, v7;
	v14 =	vld.idx.msk [tilespmem:v14+s7+$0x0], $0xffff;
	v21 =	vadd.s32 v21, v1;
	v22 =	vor.u32 $0xC0E0, v0  }
0x176: {  	[tilespmem:v23+s9+$0x0] =	vst.idx.msk $0xffff, v13;
	v13 =	vadd.s32 $0x3100, v2;
	v15 =	vld.idx.msk [tilespmem:v15+s7+$0x0], $0xffff;
	v22 =	vadd.s32 v22, v1;
	v23 =	vor.u32 $0xC0F0, v0  }
0x177: {  	[tilespmem:v8+s9+$0x0] =	vst.idx.msk $0xffff, v12;
	v8 =	vor.u32 $0xC120, v0;
	v12 =	vadd.s32 $0x3100, v5;
	v19 =	vld.idx.msk [tilespmem:v19+s7+$0x0], $0xffff;
	v23 =	vadd.s32 v23, v1  }
0x178: {  	v11 =	vld.idx.msk [tilespmem:v11+s7+$0x0], $0xffff;
	v8 =	vadd.s32 v8, v1;
	[tilespmem:v10+s9+$0x0] =	vst.idx.msk $0xffff, v16;
	v10 =	vor.u32 $0xC130, v0;
	v16 =	vadd.s32 $0x3100, v4  }
0x179: {  	[tilespmem:v20+s9+$0x0] =	vst.idx.msk $0xffff, v17;
	v17 =	vadd.s32 $0x3180, v6;
	v18 =	vld.idx.msk [tilespmem:v18+s7+$0x0], $0xffff;
	v10 =	vadd.s32 v10, v1;
	v20 =	vor.u32 $0xC140, v0  }
0x17a: {  	[tilespmem:v21+s9+$0x0] =	vst.idx.msk $0xffff, v14;
	v14 =	vadd.s32 $0x3180, v3;
	v9 =	vld.idx.msk [tilespmem:v9+s7+$0x0], $0xffff;
	v20 =	vadd.s32 v20, v1;
	v21 =	vor.u32 $0xC150, v0  }
0x17b: {  	[tilespmem:v22+s9+$0x0] =	vst.idx.msk $0xffff, v15;
	v15 =	vadd.s32 $0x3180, v7;
	v13 =	vld.idx.msk [tilespmem:v13+s7+$0x0], $0xffff;
	v21 =	vadd.s32 v21, v1;
	v22 =	vor.u32 $0xC160, v0  }
0x17c: {  	[tilespmem:v23+s9+$0x0] =	vst.idx.msk $0xffff, v19;
	v19 =	vadd.s32 $0x3180, v2;
	v12 =	vld.idx.msk [tilespmem:v12+s7+$0x0], $0xffff;
	v22 =	vadd.s32 v22, v1;
	v23 =	vor.u32 $0xC170, v0  }
0x17d: {  	[tilespmem:v8+s9+$0x0] =	vst.idx.msk $0xffff, v11;
	v8 =	vor.u32 $0xC1A0, v0;
	v11 =	vadd.s32 $0x3180, v5;
	v16 =	vld.idx.msk [tilespmem:v16+s7+$0x0], $0xffff;
	v23 =	vadd.s32 v23, v1  }
0x17e: {  	v17 =	vld.idx.msk [tilespmem:v17+s7+$0x0], $0xffff;
	v8 =	vadd.s32 v8, v1;
	[tilespmem:v10+s9+$0x0] =	vst.idx.msk $0xffff, v18;
	v10 =	vor.u32 $0xC1B0, v0;
	v18 =	vadd.s32 $0x3180, v4  }
0x17f: {  	[tilespmem:v20+s9+$0x0] =	vst.idx.msk $0xffff, v9;
	v9 =	vadd.s32 $0x3200, v6;
	v14 =	vld.idx.msk [tilespmem:v14+s7+$0x0], $0xffff;
	v10 =	vadd.s32 v10, v1;
	v20 =	vor.u32 $0xC1C0, v0  }
0x180: {  	[tilespmem:v21+s9+$0x0] =	vst.idx.msk $0xffff, v13;
	v13 =	vadd.s32 $0x3200, v3;
	v15 =	vld.idx.msk [tilespmem:v15+s7+$0x0], $0xffff;
	v20 =	vadd.s32 v20, v1;
	v21 =	vor.u32 $0xC1D0, v0  }
0x181: {  	[tilespmem:v22+s9+$0x0] =	vst.idx.msk $0xffff, v12;
	v12 =	vadd.s32 $0x3200, v7;
	v19 =	vld.idx.msk [tilespmem:v19+s7+$0x0], $0xffff;
	v21 =	vadd.s32 v21, v1;
	v22 =	vor.u32 $0xC1E0, v0  }
0x182: {  	[tilespmem:v23+s9+$0x0] =	vst.idx.msk $0xffff, v16;
	v16 =	vadd.s32 $0x3200, v2;
	v11 =	vld.idx.msk [tilespmem:v11+s7+$0x0], $0xffff;
	v22 =	vadd.s32 v22, v1;
	v23 =	vor.u32 $0xC1F0, v0  }
0x183: {  	[tilespmem:v8+s9+$0x0] =	vst.idx.msk $0xffff, v17;
	v8 =	vor.u32 $0xC220, v0;
	v17 =	vadd.s32 $0x3200, v5;
	v18 =	vld.idx.msk [tilespmem:v18+s7+$0x0], $0xffff;
	v23 =	vadd.s32 v23, v1  }
0x184: {  	v9 =	vld.idx.msk [tilespmem:v9+s7+$0x0], $0xffff;
	v8 =	vadd.s32 v8, v1;
	[tilespmem:v10+s9+$0x0] =	vst.idx.msk $0xffff, v14;
	v10 =	vor.u32 $0xC230, v0;
	v14 =	vadd.s32 $0x3200, v4  }
0x185: {  	[tilespmem:v20+s9+$0x0] =	vst.idx.msk $0xffff, v15;
	v15 =	vadd.s32 $0x3280, v6;
	v13 =	vld.idx.msk [tilespmem:v13+s7+$0x0], $0xffff;
	v10 =	vadd.s32 v10, v1;
	v20 =	vor.u32 $0xC240, v0  }
0x186: {  	[tilespmem:v21+s9+$0x0] =	vst.idx.msk $0xffff, v19;
	v19 =	vadd.s32 $0x3280, v3;
	v12 =	vld.idx.msk [tilespmem:v12+s7+$0x0], $0xffff;
	v20 =	vadd.s32 v20, v1;
	v21 =	vor.u32 $0xC250, v0  }
0x187: {  	[tilespmem:v22+s9+$0x0] =	vst.idx.msk $0xffff, v11;
	v11 =	vadd.s32 $0x3280, v7;
	v16 =	vld.idx.msk [tilespmem:v16+s7+$0x0], $0xffff;
	v21 =	vadd.s32 v21, v1;
	v22 =	vor.u32 $0xC260, v0  }
0x188: {  	[tilespmem:v23+s9+$0x0] =	vst.idx.msk $0xffff, v18;
	v18 =	vadd.s32 $0x3280, v2;
	v17 =	vld.idx.msk [tilespmem:v17+s7+$0x0], $0xffff;
	v22 =	vadd.s32 v22, v1;
	v23 =	vor.u32 $0xC270, v0  }
0x189: {  	[tilespmem:v8+s9+$0x0] =	vst.idx.msk $0xffff, v9;
	v8 =	vor.u32 $0xC2A0, v0;
	v9 =	vadd.s32 $0x3280, v5;
	v14 =	vld.idx.msk [tilespmem:v14+s7+$0x0], $0xffff;
	v23 =	vadd.s32 v23, v1  }
0x18a: {  	v15 =	vld.idx.msk [tilespmem:v15+s7+$0x0], $0xffff;
	v8 =	vadd.s32 v8, v1;
	[tilespmem:v10+s9+$0x0] =	vst.idx.msk $0xffff, v13;
	v10 =	vor.u32 $0xC2B0, v0;
	v13 =	vadd.s32 $0x3280, v4  }
0x18b: {  	[tilespmem:v20+s9+$0x0] =	vst.idx.msk $0xffff, v12;
	v12 =	vadd.s32 $0x3300, v6;
	v19 =	vld.idx.msk [tilespmem:v19+s7+$0x0], $0xffff;
	v10 =	vadd.s32 v10, v1;
	v20 =	vor.u32 $0xC2C0, v0  }
0x18c: {  	[tilespmem:v21+s9+$0x0] =	vst.idx.msk $0xffff, v16;
	v16 =	vadd.s32 $0x3300, v3;
	v11 =	vld.idx.msk [tilespmem:v11+s7+$0x0], $0xffff;
	v20 =	vadd.s32 v20, v1  }
0x18d: {  	v21 =	vor.u32 $0xC2D0, v0;
	[tilespmem:v22+s9+$0x0] =	vst.idx.msk $0xffff, v17;
	v18 =	vld.idx.msk [tilespmem:v18+s7+$0x0], $0xffff  }
0x18e: {  	v17 =	vadd.s32 $0x3300, v7;
	v21 =	vadd.s32 v21, v1;
	v22 =	vor.u32 $0xC2E0, v0;
	[tilespmem:v23+s9+$0x0] =	vst.idx.msk $0xffff, v14;
	v9 =	vld.idx.msk [tilespmem:v9+s7+$0x0], $0xffff  }
0x18f: {  	v14 =	vadd.s32 $0x3300, v2;
	v22 =	vadd.s32 v22, v1;
	[tilespmem:v8+s9+$0x0] =	vst.idx.msk $0xffff, v15;
	v13 =	vld.idx.msk [tilespmem:v13+s7+$0x0], $0xffff  }
0x190: {  	v23 =	vor.u32 $0xC2F0, v0;
	v12 =	vld.idx.msk [tilespmem:v12+s7+$0x0], $0xffff;
	[tilespmem:v10+s9+$0x0] =	vst.idx.msk $0xffff, v19  }
0x191: {  	v15 =	vadd.s32 $0x3300, v5;
	v23 =	vadd.s32 v23, v1;
	[tilespmem:v20+s9+$0x0] =	vst.idx.msk $0xffff, v11;
	v11 =	vld.idx.msk [tilespmem:v16+s7+$0x0], $0xffff  }
0x192: {  	v8 =	vor.u32 $0xC320, v0;
	v20 =	vld [tilespmem:$0x1FF70]  }
0x193: {  	v8 =	vadd.s32 v8, v1;
	v19 =	vadd.s32 $0x3300, v4;
	[tilespmem:v21+s9+$0x0] =	vst.idx.msk $0xffff, v18;
	v17 =	vld.idx.msk [tilespmem:v17+s7+$0x0], $0xffff  }
0x194: {  	v10 =	vor.u32 $0xC330, v0;
	[tilespmem:v22+s9+$0x0] =	vst.idx.msk $0xffff, v9;
	v9 =	vld.idx.msk [tilespmem:v14+s7+$0x0], $0xffff  }
0x195: {  	v6 =	vadd.s32 $0x3380, v6;
	v10 =	vadd.s32 v10, v1;
	v22 =	vld [tilespmem:$0x1FF80]  }
0x196: {  	v3 =	vadd.s32 $0x3380, v3;
	v16 =	vor.u32 $0xC340, v0;
	[tilespmem:v23+s9+$0x0] =	vst.idx.msk $0xffff, v13;
	v13 =	vld.idx.msk [tilespmem:v15+s7+$0x0], $0xffff  }
0x197: {  	v16 =	vadd.s32 v16, v1;
	v23 =	vmov v25;
	v25 =	vmov v29;
	v29 =	vld [tilespmem:$0x1FFB0]  }
0x198: {  	[tilespmem:v8+s9+$0x0] =	vst.idx.msk $0xffff, v12;
	v12 =	vld.idx.msk [tilespmem:v19+s7+$0x0], $0xffff  }
0x199: {  	v7 =	vadd.s32 $0x3380, v7;
	v18 =	vor.u32 $0xC350, v0;
	v19 =	vmov v26;
	v26 =	vld [tilespmem:$0x1FF90]  }
0x19a: {  	v14 =	vadd.s32 v18, v1;
	[tilespmem:v10+s9+$0x0] =	vst.idx.msk $0xffff, v11;
	v6 =	vld.idx.msk [tilespmem:v6+s7+$0x0], $0xffff  }
0x19b: {  	v2 =	vadd.s32 $0x3380, v2;
	v18 =	vor.u32 $0xC360, v0;
	v3 =	vld.idx.msk [tilespmem:v3+s7+$0x0], $0xffff  }
0x19c: {  	v15 =	vadd.s32 v18, v1;
	[tilespmem:v16+s9+$0x0] =	vst.idx.msk $0xffff, v17;
	v16 =	vmov v27;
	v27 =	vld [tilespmem:$0x1FFA0]  }
0x19d: {  	v5 =	vadd.s32 $0x3380, v5;
	v18 =	vor.u32 $0xC370, v0;
	v17 =	vld [tilespmem:$0x1FF50]  }
0x19e: {  	v8 =	vor.u32 $0xC3A0, v0;
	v18 =	vadd.s32 v18, v1;
	v7 =	vld.idx.msk [tilespmem:v7+s7+$0x0], $0xffff  }
0x19f: {  	v8 =	vadd.s32 v8, v1;
	[tilespmem:v14+s9+$0x0] =	vst.idx.msk $0xffff, v9;
	v14 =	vmov v31;
	v31 =	vld [tilespmem:$0x1FFC0]  }
0x1a0: {  	v4 =	vadd.s32 $0x3380, v4;
	v2 =	vld.idx.msk [tilespmem:v2+s7+$0x0], $0xffff  }
0x1a1: {  	v10 =	vor.u32 $0xC3B0, v0;
	[tilespmem:v15+s9+$0x0] =	vst.idx.msk $0xffff, v13;
	v15 =	vld [tilespmem:$0x1FF40]  }
0x1a2: {  	v10 =	vadd.s32 v10, v1;
	v5 =	vld.idx.msk [tilespmem:v5+s7+$0x0], $0xffff  }
0x1a3: {  	v11 =	vor.u32 $0xC3C0, v0;
	[tilespmem:v18+s9+$0x0] =	vst.idx.msk $0xffff, v12;
	v18 =	vld [tilespmem:$0x1FF60]  }
0x1a4: {  	v9 =	vadd.s32 v11, v1;
	v11 =	vor.u32 $0xC3D0, v0;
	v13 =	vor.u32 $0xC3E0, v0;
	[tilespmem:v8+s9+$0x0] =	vst.idx.msk $0xffff, v6;
	v6 =	vld [tilespmem:$0x1FEF0]  }
0x1a5: {  	v11 =	vadd.s32 v11, v1;
	v12 =	vadd.s32 v13, v1;
	v13 =	vor.u32 $0xC3F0, v0;
	v4 =	vld.idx.msk [tilespmem:v4+s7+$0x0], $0xffff  }
0x1a6: {  	s13 =	sadd.s32 $0x8, s13;
	v8 =	vld [tilespmem:$0x1FF30]  }
0x1a7: {  	p0 =	slt.u32 s13, $0x78;
	v1 =	vadd.s32 v13, v1;
	[tilespmem:v10+s9+$0x0] =	vst.idx.msk $0xffff, v3;
	v10 =	vmov v35;
	v35 =	vmov v57;
	v57 =	vld [tilespmem:$0x1FFE0]  }
.Ltmp0:
0x1a8: {  	v13 =	vmovc v34;
	v34 =	vmov v56;
	v56 =	vmov v55;
	v55 =	vmov v58;
	v58 =	vld [tilespmem:$0x1FFF0];
	(pc) =	sbr.rel @p0 .LBB2_2-.Ltmp0, $4  }
0x1a9: {  	[tilespmem:v9+s9+$0x0] =	vst.idx.msk $0xffff, v7;
	v9 =	vld [tilespmem:$0x1FFD0]  }
0x1aa: {  	v7 =	vld [tilespmem:$0x1FF00];
	[tilespmem:v11+s9+$0x0] =	vst.idx.msk $0xffff, v2  }
0x1ab: {  	v11 =	vld [tilespmem:$0x1FF10];
	[tilespmem:v12+s9+$0x0] =	vst.idx.msk $0xffff, v5  }
0x1ac: {  	s15 =	sadd.s32 $0x80, s15;
	s14 =	sadd.s32 $0x80, s14;
	v12 =	vld [tilespmem:$0x1FF20];
	[tilespmem:v1+s9+$0x0] =	vst.idx.msk $0xffff, v4  }
0x1ad: {  	s12 =	sadd.s32 $0x1, s12  }
0x1ae: {  	p0 =	sne.s32 s12, s6  }
.Ltmp1:
0x1af: {  	_ = 	snop;
	(pc) =	sbr.rel @p0 .LBB2_1-.Ltmp1, $4  }
0x1b0: {  	[hbm4b:s5+s10] =	stream.strided.scatter [tilespmem:s9], [sflag:$0x1], $0x10000, s11, s10, $0x38;
	[tilespmem:$0x14800] =	vst v63  }
0x1b1: {  	_ =	swait.ge [sflag:s8], $0x10000  }
0x1b2: {  	[sflag:s8] =	ssyncset.done $0x0  }
0x1b3: {  	[sflag:s8] =	ssyncadd.s32 $0xFFFF0000  }
0x1b4: {  	_ =	sfence.sel $0x180000  }
0x1b5: {  	[bflag:$0x0] =	sbarrier.arrive $0xFFFF  }
0x1b6: {  	p0 =	sne.s32 s2, $0x0;
	_ =	strace $0x90000047  }
0x1b7: {  	s0 =	sadd.s32 @!p0 $0x100000, s1;
	[bflag:$0x2] =	sbarrier.arrive $0xFFFF  }
0x1b8: {  	[sflag:s0] =	ssyncadd.tile.s32 @!p0 $0x1;
	_ =	shalt  }
.Lfunc_end2:
_tile_overlayer_lowered:
.L_overlay_start_2:
0x1b9: {  	(tag) =	ssettag $0x2  }
0x1ba: {  	s0 =	rddreg [dreg:$0x0];
	s2 =	stileid.u32  }
0x1bb: {  	s1 =	rddreg [dreg:$0x1];
	p0 =	sne.s32 s2, $0x0  }
0x1bc: {  	s3 =	rddreg [dreg:$0x2];
	[bflag:$0x3] =	sbarrier.arrive $0xFFFF;
	s2 =	simm.s32 @!p0 $0x1C01  }
0x1bd: {  	[timem:s3], [sflag:s2] =	dma.local @!p0 [hbm:s0], s1  }
0x1be: {  	s0 =	simm.s32 @!p0 $0x1  }
0x1bf: {  	_ =	swait.ge @!p0 [sflag:s0], s1  }
0x1c0: {  	s1 =	ssub.s32 @!p0 $0x0, s1;
	[sflag:s0] =	ssyncset.done @!p0 $0x0  }
0x1c1: {  	[sflag:s0] =	ssyncadd.s32 @!p0 s1  }
0x1c2: {  	[bflag:$0x3] =	sbarrier.arrive $0xFFFF  }
0x1c3: {  	_ =	shalt  }

</sc_bundles>
